<compile_context>
chip_gen: v7x
topology: tpu7x:2x2x1
jax: 0.10.2.dev20260603
libtpu: 0.0.44.dev20260713+nightly
codegen_flags: <defaults>
</compile_context>

<pallas_src>
import functools

import jax
import jax.numpy as jnp
from jax import lax
from jax.experimental import pallas as pl
from jax.experimental.pallas import tpu as pltpu
from jax.experimental.pallas import tpu_sc as plsc

NUM_TOKENS = 4096 * 200
DIM = 64
NW = 32
PER_W = NUM_TOKENS // NW
NBUF = 4
CHUNK = 400
N_CHUNKS = PER_W // CHUNK
N_ROUNDS = N_CHUNKS // NBUF


def _gather_kernel(idx_hbm, table_hbm, out_hbm, idx_v, rows_v, *sems):
    gsem = sems[:NBUF]
    wsem = sems[NBUF:]
    wid = lax.axis_index("s") * 2 + lax.axis_index("c")
    base = wid * PER_W

    def stage_and_fire(c, b):
        off = base + c * CHUNK
        pltpu.sync_copy(idx_hbm.at[pl.ds(off, CHUNK)], idx_v.at[b])
        pltpu.async_copy(table_hbm.at[idx_v.at[b]], rows_v.at[b], gsem[b])

    def wait_gather(b):
        pltpu.make_async_copy(
            table_hbm.at[idx_v.at[b]], rows_v.at[b], gsem[b]
        ).wait()

    def fire_writeback(c, b):
        off = base + c * CHUNK
        pltpu.async_copy(rows_v.at[b], out_hbm.at[pl.ds(off, CHUNK)], wsem[b])

    def wait_writeback(b):
        pltpu.make_async_copy(
            rows_v.at[b], out_hbm.at[pl.ds(base, CHUNK)], wsem[b]
        ).wait()

    def round_steps(j, skip_early_wwait=False):
        for b in range(NBUF):
            c = j * NBUF + b
            bf = (b + 2) % NBUF
            if not (skip_early_wwait and b < 2):
                wait_writeback(bf)
            stage_and_fire(c + 2, bf)
            wait_gather(b)
            fire_writeback(c, b)

    stage_and_fire(0, 0)
    stage_and_fire(1, 1)

    round_steps(0, skip_early_wwait=True)

    def body(j, carry):
        round_steps(j)
        return carry

    lax.fori_loop(1, N_ROUNDS - 1, body, 0)

    j = N_ROUNDS - 1
    for b in range(NBUF):
        c = j * NBUF + b
        bf = (b + 2) % NBUF
        if c + 2 < N_CHUNKS:
            wait_writeback(bf)
            stage_and_fire(c + 2, bf)
        wait_gather(b)
        fire_writeback(c, b)
    for b in range(NBUF):
        wait_writeback(b)


def kernel(token_ids, weight):
    idx_flat = token_ids.reshape(-1).astype(jnp.int32)
    mesh = plsc.VectorSubcoreMesh(core_axis_name="c", subcore_axis_name="s")
    run = functools.partial(
        pl.kernel,
        mesh=mesh,
        compiler_params=pltpu.CompilerParams(use_tc_tiling_on_sc=False),
        out_type=jax.ShapeDtypeStruct((NUM_TOKENS, DIM), jnp.float32),
        scratch_types=[
            pltpu.VMEM((NBUF, CHUNK), jnp.int32),
            pltpu.VMEM((NBUF, CHUNK, DIM), jnp.float32),
        ]
        + [pltpu.SemaphoreType.DMA] * (2 * NBUF),
    )(_gather_kernel)
    out = run(idx_flat, weight)
    return out.reshape(token_ids.shape + (DIM,))

# --- scband reference (transcript-rebuilt; emitter-appended) ---
"""Pipeline reference for scband-embedding-56770877719109 (READ-ONLY COPY).

The authoritative reference and input builder live on the scoring server;
editing this copy changes nothing except your own understanding.
"""

import jax, jax.numpy as jnp
import numpy as np

NUM_EMBEDDINGS = 1000000
EMBEDDING_DIM = 64

def setup_inputs(seed: int = 0) -> dict:
    key = jax.random.key(seed)
    k1, k2 = jax.random.split(key)
    token_ids = jax.random.randint(k1, (4096, 200), 0, NUM_EMBEDDINGS, dtype=jnp.int64 if jax.config.jax_enable_x64 else jnp.int32)
    # trunc_normal_(randn, a=-3, b=3) ~ standard normal clipped to [-3, 3]
    weight = jnp.clip(jax.random.normal(k2, (NUM_EMBEDDINGS, EMBEDDING_DIM), dtype=jnp.float32), -3.0, 3.0)
    return {"token_ids": token_ids, "weight": weight}

def reference(token_ids, weight):
    # Embedding lookup: weight[token_ids]
    return jnp.take(weight, token_ids, axis=0)

if __name__ == "__main__":
    import jax
    _d = setup_inputs()
    print(jax.jit(kernel)(*tuple(_d.values())))

</pallas_src>

<mosaic_0001>
#map = affine_map<(d0, d1) -> (0)>
#map1 = affine_map<(d0, d1) -> (0, 0)>
module attributes {stable_mosaic.version = 14 : i64} {
  func.func @_gather_kernel(%arg0: i32, %arg1: i32, %arg2: memref<819200xi32, #tpu.memory_space<hbm>>, %arg3: memref<1000000x64xf32, #tpu.memory_space<hbm>>, %arg4: memref<819200x64xf32, #tpu.memory_space<hbm>>, %arg5: memref<4x400xi32, #tpu.memory_space<vmem>>, %arg6: memref<4x400x64xf32, #tpu.memory_space<vmem>>, %arg7: memref<!tpu.dma_semaphore, #tpu.memory_space<semaphore_mem>>, %arg8: memref<!tpu.dma_semaphore, #tpu.memory_space<semaphore_mem>>, %arg9: memref<!tpu.dma_semaphore, #tpu.memory_space<semaphore_mem>>, %arg10: memref<!tpu.dma_semaphore, #tpu.memory_space<semaphore_mem>>, %arg11: memref<!tpu.dma_semaphore, #tpu.memory_space<semaphore_mem>>, %arg12: memref<!tpu.dma_semaphore, #tpu.memory_space<semaphore_mem>>, %arg13: memref<!tpu.dma_semaphore, #tpu.memory_space<semaphore_mem>>, %arg14: memref<!tpu.dma_semaphore, #tpu.memory_space<semaphore_mem>>) attributes {dimension_semantics = [#tpu.dimension_semantics<core_parallel>, #tpu.dimension_semantics<subcore_parallel>], iteration_bounds = array<i64: 2, 16>, scalar_prefetch = 0 : i64, scratch_operands = 10 : i64, tpu.core_type = #tpu.core_type<sc_vector_subcore>, window_params = [{transform_indices = #map}, {transform_indices = #map1}, {transform_indices = #map1}]} {
    %mul3A = arith.constant 2 : i32
    %mul3A_0 = arith.muli %arg1, %mul3A : i32
    %add3A = arith.addi %mul3A_0, %arg0 : i32
    %mul3A_1 = arith.constant 25600 : i32
    %mul3A_2 = arith.muli %add3A, %mul3A_1 : i32
    %add3A_3 = arith.constant 0 : i32
    %add3A_4 = arith.addi %mul3A_2, %add3A_3 : i32
    %run_scoped3A = arith.constant 0 : i32
    "tpu.region"() ({
      %run_scoped3A_445 = tpu.sem_alloc : memref<!tpu.dma_semaphore, #tpu.memory_space<semaphore_mem>>
      %dma_start3A_446 = arith.constant 0 : i32
      %dma_start3A_447 = tpu.memref_slice %arg5[%run_scoped3A, %dma_start3A_446] : memref<4x400xi32, #tpu.memory_space<vmem>> -> memref<1x400xi32, #tpu.memory_space<vmem>>
      %dma_start3A_448 = tpu.memref_squeeze %dma_start3A_447 : memref<1x400xi32, #tpu.memory_space<vmem>> -> memref<400xi32, #tpu.memory_space<vmem>>
      %dma_start3A_449 = tpu.memref_slice %arg2[%add3A_4] : memref<819200xi32, #tpu.memory_space<hbm>> -> memref<400xi32, #tpu.memory_space<hbm>>
      %dma_start3A_450 = arith.constant 0 : i32
      %dma_start3A_451 = tpu.memref_slice %arg5[%run_scoped3A, %dma_start3A_450] : memref<4x400xi32, #tpu.memory_space<vmem>> -> memref<1x400xi32, #tpu.memory_space<vmem>>
      %dma_start3A_452 = tpu.memref_squeeze %dma_start3A_451 : memref<1x400xi32, #tpu.memory_space<vmem>> -> memref<400xi32, #tpu.memory_space<vmem>>
      %dma_start3A_453 = tpu.memref_slice %arg2[%add3A_4] : memref<819200xi32, #tpu.memory_space<hbm>> -> memref<400xi32, #tpu.memory_space<hbm>>
      tpu.enqueue_dma source(%dma_start3A_453 : memref<400xi32, #tpu.memory_space<hbm>>) target(%dma_start3A_452 : memref<400xi32, #tpu.memory_space<vmem>>) target_semaphore(%run_scoped3A_445 : memref<!tpu.dma_semaphore, #tpu.memory_space<semaphore_mem>>)
      %dma_wait3A_454 = arith.constant 0 : i32
      %dma_wait3A_455 = tpu.memref_slice %arg5[%run_scoped3A, %dma_wait3A_454] : memref<4x400xi32, #tpu.memory_space<vmem>> -> memref<1x400xi32, #tpu.memory_space<vmem>>
      %dma_wait3A_456 = tpu.memref_squeeze %dma_wait3A_455 : memref<1x400xi32, #tpu.memory_space<vmem>> -> memref<400xi32, #tpu.memory_space<vmem>>
      %dma_wait3A_457 = tpu.memref_slice %arg2[%add3A_4] : memref<819200xi32, #tpu.memory_space<hbm>> -> memref<400xi32, #tpu.memory_space<hbm>>
      %dma_wait3A_458 = arith.constant 0 : i32
      %dma_wait3A_459 = tpu.memref_slice %arg5[%run_scoped3A, %dma_wait3A_458] : memref<4x400xi32, #tpu.memory_space<vmem>> -> memref<1x400xi32, #tpu.memory_space<vmem>>
      %dma_wait3A_460 = tpu.memref_squeeze %dma_wait3A_459 : memref<1x400xi32, #tpu.memory_space<vmem>> -> memref<400xi32, #tpu.memory_space<vmem>>
      %dma_wait3A_461 = tpu.memref_slice %arg2[%add3A_4] : memref<819200xi32, #tpu.memory_space<hbm>> -> memref<400xi32, #tpu.memory_space<hbm>>
      tpu.wait_dma2 semaphore(%run_scoped3A_445 : memref<!tpu.dma_semaphore, #tpu.memory_space<semaphore_mem>>) src(%dma_wait3A_461 : memref<400xi32, #tpu.memory_space<hbm>>) dst(%dma_wait3A_460 : memref<400xi32, #tpu.memory_space<vmem>>)
      tpu.yield
    }) : () -> ()
    %dma_start3A = arith.constant 0 : i32
    %dma_start3A_5 = arith.constant 0 : i32
    %dma_start3A_6 = arith.constant 0 : i32
    %dma_start3A_7 = arith.constant 0 : i32
    %dma_start3A_8 = tpu.memref_slice %arg6[%dma_start3A_5, %dma_start3A_6, %dma_start3A_7] : memref<4x400x64xf32, #tpu.memory_space<vmem>> -> memref<1x400x64xf32, #tpu.memory_space<vmem>>
    %dma_start3A_9 = tpu.memref_squeeze %dma_start3A_8 : memref<1x400x64xf32, #tpu.memory_space<vmem>> -> memref<400x64xf32, #tpu.memory_space<vmem>>
    %dma_start3A_10 = arith.constant 0 : i32
    %dma_start3A_11 = tpu.memref_slice %arg5[%dma_start3A, %dma_start3A_10] : memref<4x400xi32, #tpu.memory_space<vmem>> -> memref<1x400xi32, #tpu.memory_space<vmem>>
    %dma_start3A_12 = tpu.memref_squeeze %dma_start3A_11 : memref<1x400xi32, #tpu.memory_space<vmem>> -> memref<400xi32, #tpu.memory_space<vmem>>
    %dma_start3A_13 = arith.constant 0 : i32
    %dma_start3A_14 = arith.constant 0 : i32
    %dma_start3A_15 = tpu.memref_slice %arg3[%dma_start3A_13, %dma_start3A_14] : memref<1000000x64xf32, #tpu.memory_space<hbm>> -> memref<1000000x64xf32, #tpu.memory_space<hbm>>
    tpu.enqueue_indirect_dma source(%dma_start3A_15 : memref<1000000x64xf32, #tpu.memory_space<hbm>>) target(%dma_start3A_9 : memref<400x64xf32, #tpu.memory_space<vmem>>) offsets(%dma_start3A_12 : memref<400xi32, #tpu.memory_space<vmem>>) semaphore(%arg7 : memref<!tpu.dma_semaphore, #tpu.memory_space<semaphore_mem>>)
    %add3A_16 = arith.constant 400 : i32
    %add3A_17 = arith.addi %mul3A_2, %add3A_16 : i32
    %run_scoped3A_18 = arith.constant 1 : i32
    "tpu.region"() ({
      %run_scoped3A_445 = tpu.sem_alloc : memref<!tpu.dma_semaphore, #tpu.memory_space<semaphore_mem>>
      %dma_start3A_446 = arith.constant 0 : i32
      %dma_start3A_447 = tpu.memref_slice %arg5[%run_scoped3A_18, %dma_start3A_446] : memref<4x400xi32, #tpu.memory_space<vmem>> -> memref<1x400xi32, #tpu.memory_space<vmem>>
      %dma_start3A_448 = tpu.memref_squeeze %dma_start3A_447 : memref<1x400xi32, #tpu.memory_space<vmem>> -> memref<400xi32, #tpu.memory_space<vmem>>
      %dma_start3A_449 = tpu.memref_slice %arg2[%add3A_17] : memref<819200xi32, #tpu.memory_space<hbm>> -> memref<400xi32, #tpu.memory_space<hbm>>
      %dma_start3A_450 = arith.constant 0 : i32
      %dma_start3A_451 = tpu.memref_slice %arg5[%run_scoped3A_18, %dma_start3A_450] : memref<4x400xi32, #tpu.memory_space<vmem>> -> memref<1x400xi32, #tpu.memory_space<vmem>>
      %dma_start3A_452 = tpu.memref_squeeze %dma_start3A_451 : memref<1x400xi32, #tpu.memory_space<vmem>> -> memref<400xi32, #tpu.memory_space<vmem>>
      %dma_start3A_453 = tpu.memref_slice %arg2[%add3A_17] : memref<819200xi32, #tpu.memory_space<hbm>> -> memref<400xi32, #tpu.memory_space<hbm>>
      tpu.enqueue_dma source(%dma_start3A_453 : memref<400xi32, #tpu.memory_space<hbm>>) target(%dma_start3A_452 : memref<400xi32, #tpu.memory_space<vmem>>) target_semaphore(%run_scoped3A_445 : memref<!tpu.dma_semaphore, #tpu.memory_space<semaphore_mem>>)
      %dma_wait3A_454 = arith.constant 0 : i32
      %dma_wait3A_455 = tpu.memref_slice %arg5[%run_scoped3A_18, %dma_wait3A_454] : memref<4x400xi32, #tpu.memory_space<vmem>> -> memref<1x400xi32, #tpu.memory_space<vmem>>
      %dma_wait3A_456 = tpu.memref_squeeze %dma_wait3A_455 : memref<1x400xi32, #tpu.memory_space<vmem>> -> memref<400xi32, #tpu.memory_space<vmem>>
      %dma_wait3A_457 = tpu.memref_slice %arg2[%add3A_17] : memref<819200xi32, #tpu.memory_space<hbm>> -> memref<400xi32, #tpu.memory_space<hbm>>
      %dma_wait3A_458 = arith.constant 0 : i32
      %dma_wait3A_459 = tpu.memref_slice %arg5[%run_scoped3A_18, %dma_wait3A_458] : memref<4x400xi32, #tpu.memory_space<vmem>> -> memref<1x400xi32, #tpu.memory_space<vmem>>
      %dma_wait3A_460 = tpu.memref_squeeze %dma_wait3A_459 : memref<1x400xi32, #tpu.memory_space<vmem>> -> memref<400xi32, #tpu.memory_space<vmem>>
      %dma_wait3A_461 = tpu.memref_slice %arg2[%add3A_17] : memref<819200xi32, #tpu.memory_space<hbm>> -> memref<400xi32, #tpu.memory_space<hbm>>
      tpu.wait_dma2 semaphore(%run_scoped3A_445 : memref<!tpu.dma_semaphore, #tpu.memory_space<semaphore_mem>>) src(%dma_wait3A_461 : memref<400xi32, #tpu.memory_space<hbm>>) dst(%dma_wait3A_460 : memref<400xi32, #tpu.memory_space<vmem>>)
      tpu.yield
    }) : () -> ()
    %dma_start3A_19 = arith.constant 1 : i32
    %dma_start3A_20 = arith.constant 1 : i32
    %dma_start3A_21 = arith.constant 0 : i32
    %dma_start3A_22 = arith.constant 0 : i32
    %dma_start3A_23 = tpu.memref_slice %arg6[%dma_start3A_20, %dma_start3A_21, %dma_start3A_22] : memref<4x400x64xf32, #tpu.memory_space<vmem>> -> memref<1x400x64xf32, #tpu.memory_space<vmem>>
    %dma_start3A_24 = tpu.memref_squeeze %dma_start3A_23 : memref<1x400x64xf32, #tpu.memory_space<vmem>> -> memref<400x64xf32, #tpu.memory_space<vmem>>
    %dma_start3A_25 = arith.constant 0 : i32
    %dma_start3A_26 = tpu.memref_slice %arg5[%dma_start3A_19, %dma_start3A_25] : memref<4x400xi32, #tpu.memory_space<vmem>> -> memref<1x400xi32, #tpu.memory_space<vmem>>
    %dma_start3A_27 = tpu.memref_squeeze %dma_start3A_26 : memref<1x400xi32, #tpu.memory_space<vmem>> -> memref<400xi32, #tpu.memory_space<vmem>>
    %dma_start3A_28 = arith.constant 0 : i32
    %dma_start3A_29 = arith.constant 0 : i32
    %dma_start3A_30 = tpu.memref_slice %arg3[%dma_start3A_28, %dma_start3A_29] : memref<1000000x64xf32, #tpu.memory_space<hbm>> -> memref<1000000x64xf32, #tpu.memory_space<hbm>>
    tpu.enqueue_indirect_dma source(%dma_start3A_30 : memref<1000000x64xf32, #tpu.memory_space<hbm>>) target(%dma_start3A_24 : memref<400x64xf32, #tpu.memory_space<vmem>>) offsets(%dma_start3A_27 : memref<400xi32, #tpu.memory_space<vmem>>) semaphore(%arg8 : memref<!tpu.dma_semaphore, #tpu.memory_space<semaphore_mem>>)
    %add3A_31 = arith.constant 800 : i32
    %add3A_32 = arith.addi %mul3A_2, %add3A_31 : i32
    %run_scoped3A_33 = arith.constant 2 : i32
    "tpu.region"() ({
      %run_scoped3A_445 = tpu.sem_alloc : memref<!tpu.dma_semaphore, #tpu.memory_space<semaphore_mem>>
      %dma_start3A_446 = arith.constant 0 : i32
      %dma_start3A_447 = tpu.memref_slice %arg5[%run_scoped3A_33, %dma_start3A_446] : memref<4x400xi32, #tpu.memory_space<vmem>> -> memref<1x400xi32, #tpu.memory_space<vmem>>
      %dma_start3A_448 = tpu.memref_squeeze %dma_start3A_447 : memref<1x400xi32, #tpu.memory_space<vmem>> -> memref<400xi32, #tpu.memory_space<vmem>>
      %dma_start3A_449 = tpu.memref_slice %arg2[%add3A_32] : memref<819200xi32, #tpu.memory_space<hbm>> -> memref<400xi32, #tpu.memory_space<hbm>>
      %dma_start3A_450 = arith.constant 0 : i32
      %dma_start3A_451 = tpu.memref_slice %arg5[%run_scoped3A_33, %dma_start3A_450] : memref<4x400xi32, #tpu.memory_space<vmem>> -> memref<1x400xi32, #tpu.memory_space<vmem>>
      %dma_start3A_452 = tpu.memref_squeeze %dma_start3A_451 : memref<1x400xi32, #tpu.memory_space<vmem>> -> memref<400xi32, #tpu.memory_space<vmem>>
      %dma_start3A_453 = tpu.memref_slice %arg2[%add3A_32] : memref<819200xi32, #tpu.memory_space<hbm>> -> memref<400xi32, #tpu.memory_space<hbm>>
      tpu.enqueue_dma source(%dma_start3A_453 : memref<400xi32, #tpu.memory_space<hbm>>) target(%dma_start3A_452 : memref<400xi32, #tpu.memory_space<vmem>>) target_semaphore(%run_scoped3A_445 : memref<!tpu.dma_semaphore, #tpu.memory_space<semaphore_mem>>)
      %dma_wait3A_454 = arith.constant 0 : i32
      %dma_wait3A_455 = tpu.memref_slice %arg5[%run_scoped3A_33, %dma_wait3A_454] : memref<4x400xi32, #tpu.memory_space<vmem>> -> memref<1x400xi32, #tpu.memory_space<vmem>>
      %dma_wait3A_456 = tpu.memref_squeeze %dma_wait3A_455 : memref<1x400xi32, #tpu.memory_space<vmem>> -> memref<400xi32, #tpu.memory_space<vmem>>
      %dma_wait3A_457 = tpu.memref_slice %arg2[%add3A_32] : memref<819200xi32, #tpu.memory_space<hbm>> -> memref<400xi32, #tpu.memory_space<hbm>>
      %dma_wait3A_458 = arith.constant 0 : i32
      %dma_wait3A_459 = tpu.memref_slice %arg5[%run_scoped3A_33, %dma_wait3A_458] : memref<4x400xi32, #tpu.memory_space<vmem>> -> memref<1x400xi32, #tpu.memory_space<vmem>>
      %dma_wait3A_460 = tpu.memref_squeeze %dma_wait3A_459 : memref<1x400xi32, #tpu.memory_space<vmem>> -> memref<400xi32, #tpu.memory_space<vmem>>
      %dma_wait3A_461 = tpu.memref_slice %arg2[%add3A_32] : memref<819200xi32, #tpu.memory_space<hbm>> -> memref<400xi32, #tpu.memory_space<hbm>>
      tpu.wait_dma2 semaphore(%run_scoped3A_445 : memref<!tpu.dma_semaphore, #tpu.memory_space<semaphore_mem>>) src(%dma_wait3A_461 : memref<400xi32, #tpu.memory_space<hbm>>) dst(%dma_wait3A_460 : memref<400xi32, #tpu.memory_space<vmem>>)
      tpu.yield
    }) : () -> ()
    %dma_start3A_34 = arith.constant 2 : i32
    %dma_start3A_35 = arith.constant 2 : i32
    %dma_start3A_36 = arith.constant 0 : i32
    %dma_start3A_37 = arith.constant 0 : i32
    %dma_start3A_38 = tpu.memref_slice %arg6[%dma_start3A_35, %dma_start3A_36, %dma_start3A_37] : memref<4x400x64xf32, #tpu.memory_space<vmem>> -> memref<1x400x64xf32, #tpu.memory_space<vmem>>
    %dma_start3A_39 = tpu.memref_squeeze %dma_start3A_38 : memref<1x400x64xf32, #tpu.memory_space<vmem>> -> memref<400x64xf32, #tpu.memory_space<vmem>>
    %dma_start3A_40 = arith.constant 0 : i32
    %dma_start3A_41 = tpu.memref_slice %arg5[%dma_start3A_34, %dma_start3A_40] : memref<4x400xi32, #tpu.memory_space<vmem>> -> memref<1x400xi32, #tpu.memory_space<vmem>>
    %dma_start3A_42 = tpu.memref_squeeze %dma_start3A_41 : memref<1x400xi32, #tpu.memory_space<vmem>> -> memref<400xi32, #tpu.memory_space<vmem>>
    %dma_start3A_43 = arith.constant 0 : i32
    %dma_start3A_44 = arith.constant 0 : i32
    %dma_start3A_45 = tpu.memref_slice %arg3[%dma_start3A_43, %dma_start3A_44] : memref<1000000x64xf32, #tpu.memory_space<hbm>> -> memref<1000000x64xf32, #tpu.memory_space<hbm>>
    tpu.enqueue_indirect_dma source(%dma_start3A_45 : memref<1000000x64xf32, #tpu.memory_space<hbm>>) target(%dma_start3A_39 : memref<400x64xf32, #tpu.memory_space<vmem>>) offsets(%dma_start3A_42 : memref<400xi32, #tpu.memory_space<vmem>>) semaphore(%arg9 : memref<!tpu.dma_semaphore, #tpu.memory_space<semaphore_mem>>)
    %dma_wait3A = arith.constant 0 : i32
    %dma_wait3A_46 = arith.constant 0 : i32
    %dma_wait3A_47 = arith.constant 0 : i32
    %dma_wait3A_48 = arith.constant 0 : i32
    %dma_wait3A_49 = tpu.memref_slice %arg6[%dma_wait3A_46, %dma_wait3A_47, %dma_wait3A_48] : memref<4x400x64xf32, #tpu.memory_space<vmem>> -> memref<1x400x64xf32, #tpu.memory_space<vmem>>
    %dma_wait3A_50 = tpu.memref_squeeze %dma_wait3A_49 : memref<1x400x64xf32, #tpu.memory_space<vmem>> -> memref<400x64xf32, #tpu.memory_space<vmem>>
    %dma_wait3A_51 = arith.constant 0 : i32
    %dma_wait3A_52 = tpu.memref_slice %arg5[%dma_wait3A, %dma_wait3A_51] : memref<4x400xi32, #tpu.memory_space<vmem>> -> memref<1x400xi32, #tpu.memory_space<vmem>>
    %dma_wait3A_53 = tpu.memref_squeeze %dma_wait3A_52 : memref<1x400xi32, #tpu.memory_space<vmem>> -> memref<400xi32, #tpu.memory_space<vmem>>
    %dma_wait3A_54 = arith.constant 0 : i32
    %dma_wait3A_55 = arith.constant 0 : i32
    %dma_wait3A_56 = tpu.memref_slice %arg3[%dma_wait3A_54, %dma_wait3A_55] : memref<1000000x64xf32, #tpu.memory_space<hbm>> -> memref<1000000x64xf32, #tpu.memory_space<hbm>>
    tpu.wait_indirect_dma semaphore(%arg7 : memref<!tpu.dma_semaphore, #tpu.memory_space<semaphore_mem>>) src(%dma_wait3A_56 : memref<1000000x64xf32, #tpu.memory_space<hbm>>) dst(%dma_wait3A_50 : memref<400x64xf32, #tpu.memory_space<vmem>>)
    %add3A_57 = arith.constant 0 : i32
    %add3A_58 = arith.addi %mul3A_2, %add3A_57 : i32
    %dma_start3A_59 = arith.constant 0 : i32
    %dma_start3A_60 = arith.constant 0 : i32
    %dma_start3A_61 = arith.constant 0 : i32
    %dma_start3A_62 = tpu.memref_slice %arg6[%dma_start3A_59, %dma_start3A_60, %dma_start3A_61] : memref<4x400x64xf32, #tpu.memory_space<vmem>> -> memref<1x400x64xf32, #tpu.memory_space<vmem>>
    %dma_start3A_63 = tpu.memref_squeeze %dma_start3A_62 : memref<1x400x64xf32, #tpu.memory_space<vmem>> -> memref<400x64xf32, #tpu.memory_space<vmem>>
    %dma_start3A_64 = arith.constant 0 : i32
    %dma_start3A_65 = tpu.memref_slice %arg4[%add3A_58, %dma_start3A_64] : memref<819200x64xf32, #tpu.memory_space<hbm>> -> memref<400x64xf32, #tpu.memory_space<hbm>>
    %dma_start3A_66 = arith.constant 0 : i32
    %dma_start3A_67 = tpu.memref_slice %arg4[%add3A_58, %dma_start3A_66] : memref<819200x64xf32, #tpu.memory_space<hbm>> -> memref<400x64xf32, #tpu.memory_space<hbm>>
    %dma_start3A_68 = arith.constant 0 : i32
    %dma_start3A_69 = arith.constant 0 : i32
    %dma_start3A_70 = tpu.memref_slice %arg6[%dma_start3A_59, %dma_start3A_68, %dma_start3A_69] : memref<4x400x64xf32, #tpu.memory_space<vmem>> -> memref<1x400x64xf32, #tpu.memory_space<vmem>>
    %dma_start3A_71 = tpu.memref_squeeze %dma_start3A_70 : memref<1x400x64xf32, #tpu.memory_space<vmem>> -> memref<400x64xf32, #tpu.memory_space<vmem>>
    tpu.enqueue_dma source(%dma_start3A_71 : memref<400x64xf32, #tpu.memory_space<vmem>>) target(%dma_start3A_67 : memref<400x64xf32, #tpu.memory_space<hbm>>) target_semaphore(%arg11 : memref<!tpu.dma_semaphore, #tpu.memory_space<semaphore_mem>>)
    %add3A_72 = arith.constant 1200 : i32
    %add3A_73 = arith.addi %mul3A_2, %add3A_72 : i32
    %run_scoped3A_74 = arith.constant 3 : i32
    "tpu.region"() ({
      %run_scoped3A_445 = tpu.sem_alloc : memref<!tpu.dma_semaphore, #tpu.memory_space<semaphore_mem>>
      %dma_start3A_446 = arith.constant 0 : i32
      %dma_start3A_447 = tpu.memref_slice %arg5[%run_scoped3A_74, %dma_start3A_446] : memref<4x400xi32, #tpu.memory_space<vmem>> -> memref<1x400xi32, #tpu.memory_space<vmem>>
      %dma_start3A_448 = tpu.memref_squeeze %dma_start3A_447 : memref<1x400xi32, #tpu.memory_space<vmem>> -> memref<400xi32, #tpu.memory_space<vmem>>
      %dma_start3A_449 = tpu.memref_slice %arg2[%add3A_73] : memref<819200xi32, #tpu.memory_space<hbm>> -> memref<400xi32, #tpu.memory_space<hbm>>
      %dma_start3A_450 = arith.constant 0 : i32
      %dma_start3A_451 = tpu.memref_slice %arg5[%run_scoped3A_74, %dma_start3A_450] : memref<4x400xi32, #tpu.memory_space<vmem>> -> memref<1x400xi32, #tpu.memory_space<vmem>>
      %dma_start3A_452 = tpu.memref_squeeze %dma_start3A_451 : memref<1x400xi32, #tpu.memory_space<vmem>> -> memref<400xi32, #tpu.memory_space<vmem>>
      %dma_start3A_453 = tpu.memref_slice %arg2[%add3A_73] : memref<819200xi32, #tpu.memory_space<hbm>> -> memref<400xi32, #tpu.memory_space<hbm>>
      tpu.enqueue_dma source(%dma_start3A_453 : memref<400xi32, #tpu.memory_space<hbm>>) target(%dma_start3A_452 : memref<400xi32, #tpu.memory_space<vmem>>) target_semaphore(%run_scoped3A_445 : memref<!tpu.dma_semaphore, #tpu.memory_space<semaphore_mem>>)
      %dma_wait3A_454 = arith.constant 0 : i32
      %dma_wait3A_455 = tpu.memref_slice %arg5[%run_scoped3A_74, %dma_wait3A_454] : memref<4x400xi32, #tpu.memory_space<vmem>> -> memref<1x400xi32, #tpu.memory_space<vmem>>
      %dma_wait3A_456 = tpu.memref_squeeze %dma_wait3A_455 : memref<1x400xi32, #tpu.memory_space<vmem>> -> memref<400xi32, #tpu.memory_space<vmem>>
      %dma_wait3A_457 = tpu.memref_slice %arg2[%add3A_73] : memref<819200xi32, #tpu.memory_space<hbm>> -> memref<400xi32, #tpu.memory_space<hbm>>
      %dma_wait3A_458 = arith.constant 0 : i32
      %dma_wait3A_459 = tpu.memref_slice %arg5[%run_scoped3A_74, %dma_wait3A_458] : memref<4x400xi32, #tpu.memory_space<vmem>> -> memref<1x400xi32, #tpu.memory_space<vmem>>
      %dma_wait3A_460 = tpu.memref_squeeze %dma_wait3A_459 : memref<1x400xi32, #tpu.memory_space<vmem>> -> memref<400xi32, #tpu.memory_space<vmem>>
      %dma_wait3A_461 = tpu.memref_slice %arg2[%add3A_73] : memref<819200xi32, #tpu.memory_space<hbm>> -> memref<400xi32, #tpu.memory_space<hbm>>
      tpu.wait_dma2 semaphore(%run_scoped3A_445 : memref<!tpu.dma_semaphore, #tpu.memory_space<semaphore_mem>>) src(%dma_wait3A_461 : memref<400xi32, #tpu.memory_space<hbm>>) dst(%dma_wait3A_460 : memref<400xi32, #tpu.memory_space<vmem>>)
      tpu.yield
    }) : () -> ()
    %dma_start3A_75 = arith.constant 3 : i32
    %dma_start3A_76 = arith.constant 3 : i32
    %dma_start3A_77 = arith.constant 0 : i32
    %dma_start3A_78 = arith.constant 0 : i32
    %dma_start3A_79 = tpu.memref_slice %arg6[%dma_start3A_76, %dma_start3A_77, %dma_start3A_78] : memref<4x400x64xf32, #tpu.memory_space<vmem>> -> memref<1x400x64xf32, #tpu.memory_space<vmem>>
    %dma_start3A_80 = tpu.memref_squeeze %dma_start3A_79 : memref<1x400x64xf32, #tpu.memory_space<vmem>> -> memref<400x64xf32, #tpu.memory_space<vmem>>
    %dma_start3A_81 = arith.constant 0 : i32
    %dma_start3A_82 = tpu.memref_slice %arg5[%dma_start3A_75, %dma_start3A_81] : memref<4x400xi32, #tpu.memory_space<vmem>> -> memref<1x400xi32, #tpu.memory_space<vmem>>
    %dma_start3A_83 = tpu.memref_squeeze %dma_start3A_82 : memref<1x400xi32, #tpu.memory_space<vmem>> -> memref<400xi32, #tpu.memory_space<vmem>>
    %dma_start3A_84 = arith.constant 0 : i32
    %dma_start3A_85 = arith.constant 0 : i32
    %dma_start3A_86 = tpu.memref_slice %arg3[%dma_start3A_84, %dma_start3A_85] : memref<1000000x64xf32, #tpu.memory_space<hbm>> -> memref<1000000x64xf32, #tpu.memory_space<hbm>>
    tpu.enqueue_indirect_dma source(%dma_start3A_86 : memref<1000000x64xf32, #tpu.memory_space<hbm>>) target(%dma_start3A_80 : memref<400x64xf32, #tpu.memory_space<vmem>>) offsets(%dma_start3A_83 : memref<400xi32, #tpu.memory_space<vmem>>) semaphore(%arg10 : memref<!tpu.dma_semaphore, #tpu.memory_space<semaphore_mem>>)
    %dma_wait3A_87 = arith.constant 1 : i32
    %dma_wait3A_88 = arith.constant 1 : i32
    %dma_wait3A_89 = arith.constant 0 : i32
    %dma_wait3A_90 = arith.constant 0 : i32
    %dma_wait3A_91 = tpu.memref_slice %arg6[%dma_wait3A_88, %dma_wait3A_89, %dma_wait3A_90] : memref<4x400x64xf32, #tpu.memory_space<vmem>> -> memref<1x400x64xf32, #tpu.memory_space<vmem>>
    %dma_wait3A_92 = tpu.memref_squeeze %dma_wait3A_91 : memref<1x400x64xf32, #tpu.memory_space<vmem>> -> memref<400x64xf32, #tpu.memory_space<vmem>>
    %dma_wait3A_93 = arith.constant 0 : i32
    %dma_wait3A_94 = tpu.memref_slice %arg5[%dma_wait3A_87, %dma_wait3A_93] : memref<4x400xi32, #tpu.memory_space<vmem>> -> memref<1x400xi32, #tpu.memory_space<vmem>>
    %dma_wait3A_95 = tpu.memref_squeeze %dma_wait3A_94 : memref<1x400xi32, #tpu.memory_space<vmem>> -> memref<400xi32, #tpu.memory_space<vmem>>
    %dma_wait3A_96 = arith.constant 0 : i32
    %dma_wait3A_97 = arith.constant 0 : i32
    %dma_wait3A_98 = tpu.memref_slice %arg3[%dma_wait3A_96, %dma_wait3A_97] : memref<1000000x64xf32, #tpu.memory_space<hbm>> -> memref<1000000x64xf32, #tpu.memory_space<hbm>>
    tpu.wait_indirect_dma semaphore(%arg8 : memref<!tpu.dma_semaphore, #tpu.memory_space<semaphore_mem>>) src(%dma_wait3A_98 : memref<1000000x64xf32, #tpu.memory_space<hbm>>) dst(%dma_wait3A_92 : memref<400x64xf32, #tpu.memory_space<vmem>>)
    %add3A_99 = arith.constant 400 : i32
    %add3A_100 = arith.addi %mul3A_2, %add3A_99 : i32
    %dma_start3A_101 = arith.constant 1 : i32
    %dma_start3A_102 = arith.constant 0 : i32
    %dma_start3A_103 = arith.constant 0 : i32
    %dma_start3A_104 = tpu.memref_slice %arg6[%dma_start3A_101, %dma_start3A_102, %dma_start3A_103] : memref<4x400x64xf32, #tpu.memory_space<vmem>> -> memref<1x400x64xf32, #tpu.memory_space<vmem>>
    %dma_start3A_105 = tpu.memref_squeeze %dma_start3A_104 : memref<1x400x64xf32, #tpu.memory_space<vmem>> -> memref<400x64xf32, #tpu.memory_space<vmem>>
    %dma_start3A_106 = arith.constant 0 : i32
    %dma_start3A_107 = tpu.memref_slice %arg4[%add3A_100, %dma_start3A_106] : memref<819200x64xf32, #tpu.memory_space<hbm>> -> memref<400x64xf32, #tpu.memory_space<hbm>>
    %dma_start3A_108 = arith.constant 0 : i32
    %dma_start3A_109 = tpu.memref_slice %arg4[%add3A_100, %dma_start3A_108] : memref<819200x64xf32, #tpu.memory_space<hbm>> -> memref<400x64xf32, #tpu.memory_space<hbm>>
    %dma_start3A_110 = arith.constant 0 : i32
    %dma_start3A_111 = arith.constant 0 : i32
    %dma_start3A_112 = tpu.memref_slice %arg6[%dma_start3A_101, %dma_start3A_110, %dma_start3A_111] : memref<4x400x64xf32, #tpu.memory_space<vmem>> -> memref<1x400x64xf32, #tpu.memory_space<vmem>>
    %dma_start3A_113 = tpu.memref_squeeze %dma_start3A_112 : memref<1x400x64xf32, #tpu.memory_space<vmem>> -> memref<400x64xf32, #tpu.memory_space<vmem>>
    tpu.enqueue_dma source(%dma_start3A_113 : memref<400x64xf32, #tpu.memory_space<vmem>>) target(%dma_start3A_109 : memref<400x64xf32, #tpu.memory_space<hbm>>) target_semaphore(%arg12 : memref<!tpu.dma_semaphore, #tpu.memory_space<semaphore_mem>>)
    %dma_wait3A_114 = arith.constant 0 : i32
    %dma_wait3A_115 = arith.constant 0 : i32
    %dma_wait3A_116 = arith.constant 0 : i32
    %dma_wait3A_117 = tpu.memref_slice %arg6[%dma_wait3A_114, %dma_wait3A_115, %dma_wait3A_116] : memref<4x400x64xf32, #tpu.memory_space<vmem>> -> memref<1x400x64xf32, #tpu.memory_space<vmem>>
    %dma_wait3A_118 = tpu.memref_squeeze %dma_wait3A_117 : memref<1x400x64xf32, #tpu.memory_space<vmem>> -> memref<400x64xf32, #tpu.memory_space<vmem>>
    %dma_wait3A_119 = arith.constant 0 : i32
    %dma_wait3A_120 = tpu.memref_slice %arg4[%mul3A_2, %dma_wait3A_119] : memref<819200x64xf32, #tpu.memory_space<hbm>> -> memref<400x64xf32, #tpu.memory_space<hbm>>
    %dma_wait3A_121 = arith.constant 0 : i32
    %dma_wait3A_122 = tpu.memref_slice %arg4[%mul3A_2, %dma_wait3A_121] : memref<819200x64xf32, #tpu.memory_space<hbm>> -> memref<400x64xf32, #tpu.memory_space<hbm>>
    %dma_wait3A_123 = arith.constant 0 : i32
    %dma_wait3A_124 = arith.constant 0 : i32
    %dma_wait3A_125 = tpu.memref_slice %arg6[%dma_wait3A_114, %dma_wait3A_123, %dma_wait3A_124] : memref<4x400x64xf32, #tpu.memory_space<vmem>> -> memref<1x400x64xf32, #tpu.memory_space<vmem>>
    %dma_wait3A_126 = tpu.memref_squeeze %dma_wait3A_125 : memref<1x400x64xf32, #tpu.memory_space<vmem>> -> memref<400x64xf32, #tpu.memory_space<vmem>>
    tpu.wait_dma2 semaphore(%arg11 : memref<!tpu.dma_semaphore, #tpu.memory_space<semaphore_mem>>) src(%dma_wait3A_126 : memref<400x64xf32, #tpu.memory_space<vmem>>) dst(%dma_wait3A_122 : memref<400x64xf32, #tpu.memory_space<hbm>>)
    %add3A_127 = arith.constant 1600 : i32
    %add3A_128 = arith.addi %mul3A_2, %add3A_127 : i32
    %run_scoped3A_129 = arith.constant 0 : i32
    "tpu.region"() ({
      %run_scoped3A_445 = tpu.sem_alloc : memref<!tpu.dma_semaphore, #tpu.memory_space<semaphore_mem>>
      %dma_start3A_446 = arith.constant 0 : i32
      %dma_start3A_447 = tpu.memref_slice %arg5[%run_scoped3A_129, %dma_start3A_446] : memref<4x400xi32, #tpu.memory_space<vmem>> -> memref<1x400xi32, #tpu.memory_space<vmem>>
      %dma_start3A_448 = tpu.memref_squeeze %dma_start3A_447 : memref<1x400xi32, #tpu.memory_space<vmem>> -> memref<400xi32, #tpu.memory_space<vmem>>
      %dma_start3A_449 = tpu.memref_slice %arg2[%add3A_128] : memref<819200xi32, #tpu.memory_space<hbm>> -> memref<400xi32, #tpu.memory_space<hbm>>
      %dma_start3A_450 = arith.constant 0 : i32
      %dma_start3A_451 = tpu.memref_slice %arg5[%run_scoped3A_129, %dma_start3A_450] : memref<4x400xi32, #tpu.memory_space<vmem>> -> memref<1x400xi32, #tpu.memory_space<vmem>>
      %dma_start3A_452 = tpu.memref_squeeze %dma_start3A_451 : memref<1x400xi32, #tpu.memory_space<vmem>> -> memref<400xi32, #tpu.memory_space<vmem>>
      %dma_start3A_453 = tpu.memref_slice %arg2[%add3A_128] : memref<819200xi32, #tpu.memory_space<hbm>> -> memref<400xi32, #tpu.memory_space<hbm>>
      tpu.enqueue_dma source(%dma_start3A_453 : memref<400xi32, #tpu.memory_space<hbm>>) target(%dma_start3A_452 : memref<400xi32, #tpu.memory_space<vmem>>) target_semaphore(%run_scoped3A_445 : memref<!tpu.dma_semaphore, #tpu.memory_space<semaphore_mem>>)
      %dma_wait3A_454 = arith.constant 0 : i32
      %dma_wait3A_455 = tpu.memref_slice %arg5[%run_scoped3A_129, %dma_wait3A_454] : memref<4x400xi32, #tpu.memory_space<vmem>> -> memref<1x400xi32, #tpu.memory_space<vmem>>
      %dma_wait3A_456 = tpu.memref_squeeze %dma_wait3A_455 : memref<1x400xi32, #tpu.memory_space<vmem>> -> memref<400xi32, #tpu.memory_space<vmem>>
      %dma_wait3A_457 = tpu.memref_slice %arg2[%add3A_128] : memref<819200xi32, #tpu.memory_space<hbm>> -> memref<400xi32, #tpu.memory_space<hbm>>
      %dma_wait3A_458 = arith.constant 0 : i32
      %dma_wait3A_459 = tpu.memref_slice %arg5[%run_scoped3A_129, %dma_wait3A_458] : memref<4x400xi32, #tpu.memory_space<vmem>> -> memref<1x400xi32, #tpu.memory_space<vmem>>
      %dma_wait3A_460 = tpu.memref_squeeze %dma_wait3A_459 : memref<1x400xi32, #tpu.memory_space<vmem>> -> memref<400xi32, #tpu.memory_space<vmem>>
      %dma_wait3A_461 = tpu.memref_slice %arg2[%add3A_128] : memref<819200xi32, #tpu.memory_space<hbm>> -> memref<400xi32, #tpu.memory_space<hbm>>
      tpu.wait_dma2 semaphore(%run_scoped3A_445 : memref<!tpu.dma_semaphore, #tpu.memory_space<semaphore_mem>>) src(%dma_wait3A_461 : memref<400xi32, #tpu.memory_space<hbm>>) dst(%dma_wait3A_460 : memref<400xi32, #tpu.memory_space<vmem>>)
      tpu.yield
    }) : () -> ()
    %dma_start3A_130 = arith.constant 0 : i32
    %dma_start3A_131 = arith.constant 0 : i32
    %dma_start3A_132 = arith.constant 0 : i32
    %dma_start3A_133 = arith.constant 0 : i32
    %dma_start3A_134 = tpu.memref_slice %arg6[%dma_start3A_131, %dma_start3A_132, %dma_start3A_133] : memref<4x400x64xf32, #tpu.memory_space<vmem>> -> memref<1x400x64xf32, #tpu.memory_space<vmem>>
    %dma_start3A_135 = tpu.memref_squeeze %dma_start3A_134 : memref<1x400x64xf32, #tpu.memory_space<vmem>> -> memref<400x64xf32, #tpu.memory_space<vmem>>
    %dma_start3A_136 = arith.constant 0 : i32
    %dma_start3A_137 = tpu.memref_slice %arg5[%dma_start3A_130, %dma_start3A_136] : memref<4x400xi32, #tpu.memory_space<vmem>> -> memref<1x400xi32, #tpu.memory_space<vmem>>
    %dma_start3A_138 = tpu.memref_squeeze %dma_start3A_137 : memref<1x400xi32, #tpu.memory_space<vmem>> -> memref<400xi32, #tpu.memory_space<vmem>>
    %dma_start3A_139 = arith.constant 0 : i32
    %dma_start3A_140 = arith.constant 0 : i32
    %dma_start3A_141 = tpu.memref_slice %arg3[%dma_start3A_139, %dma_start3A_140] : memref<1000000x64xf32, #tpu.memory_space<hbm>> -> memref<1000000x64xf32, #tpu.memory_space<hbm>>
    tpu.enqueue_indirect_dma source(%dma_start3A_141 : memref<1000000x64xf32, #tpu.memory_space<hbm>>) target(%dma_start3A_135 : memref<400x64xf32, #tpu.memory_space<vmem>>) offsets(%dma_start3A_138 : memref<400xi32, #tpu.memory_space<vmem>>) semaphore(%arg7 : memref<!tpu.dma_semaphore, #tpu.memory_space<semaphore_mem>>)
    %dma_wait3A_142 = arith.constant 2 : i32
    %dma_wait3A_143 = arith.constant 2 : i32
    %dma_wait3A_144 = arith.constant 0 : i32
    %dma_wait3A_145 = arith.constant 0 : i32
    %dma_wait3A_146 = tpu.memref_slice %arg6[%dma_wait3A_143, %dma_wait3A_144, %dma_wait3A_145] : memref<4x400x64xf32, #tpu.memory_space<vmem>> -> memref<1x400x64xf32, #tpu.memory_space<vmem>>
    %dma_wait3A_147 = tpu.memref_squeeze %dma_wait3A_146 : memref<1x400x64xf32, #tpu.memory_space<vmem>> -> memref<400x64xf32, #tpu.memory_space<vmem>>
    %dma_wait3A_148 = arith.constant 0 : i32
    %dma_wait3A_149 = tpu.memref_slice %arg5[%dma_wait3A_142, %dma_wait3A_148] : memref<4x400xi32, #tpu.memory_space<vmem>> -> memref<1x400xi32, #tpu.memory_space<vmem>>
    %dma_wait3A_150 = tpu.memref_squeeze %dma_wait3A_149 : memref<1x400xi32, #tpu.memory_space<vmem>> -> memref<400xi32, #tpu.memory_space<vmem>>
    %dma_wait3A_151 = arith.constant 0 : i32
    %dma_wait3A_152 = arith.constant 0 : i32
    %dma_wait3A_153 = tpu.memref_slice %arg3[%dma_wait3A_151, %dma_wait3A_152] : memref<1000000x64xf32, #tpu.memory_space<hbm>> -> memref<1000000x64xf32, #tpu.memory_space<hbm>>
    tpu.wait_indirect_dma semaphore(%arg9 : memref<!tpu.dma_semaphore, #tpu.memory_space<semaphore_mem>>) src(%dma_wait3A_153 : memref<1000000x64xf32, #tpu.memory_space<hbm>>) dst(%dma_wait3A_147 : memref<400x64xf32, #tpu.memory_space<vmem>>)
    %add3A_154 = arith.constant 800 : i32
    %add3A_155 = arith.addi %mul3A_2, %add3A_154 : i32
    %dma_start3A_156 = arith.constant 2 : i32
    %dma_start3A_157 = arith.constant 0 : i32
    %dma_start3A_158 = arith.constant 0 : i32
    %dma_start3A_159 = tpu.memref_slice %arg6[%dma_start3A_156, %dma_start3A_157, %dma_start3A_158] : memref<4x400x64xf32, #tpu.memory_space<vmem>> -> memref<1x400x64xf32, #tpu.memory_space<vmem>>
    %dma_start3A_160 = tpu.memref_squeeze %dma_start3A_159 : memref<1x400x64xf32, #tpu.memory_space<vmem>> -> memref<400x64xf32, #tpu.memory_space<vmem>>
    %dma_start3A_161 = arith.constant 0 : i32
    %dma_start3A_162 = tpu.memref_slice %arg4[%add3A_155, %dma_start3A_161] : memref<819200x64xf32, #tpu.memory_space<hbm>> -> memref<400x64xf32, #tpu.memory_space<hbm>>
    %dma_start3A_163 = arith.constant 0 : i32
    %dma_start3A_164 = tpu.memref_slice %arg4[%add3A_155, %dma_start3A_163] : memref<819200x64xf32, #tpu.memory_space<hbm>> -> memref<400x64xf32, #tpu.memory_space<hbm>>
    %dma_start3A_165 = arith.constant 0 : i32
    %dma_start3A_166 = arith.constant 0 : i32
    %dma_start3A_167 = tpu.memref_slice %arg6[%dma_start3A_156, %dma_start3A_165, %dma_start3A_166] : memref<4x400x64xf32, #tpu.memory_space<vmem>> -> memref<1x400x64xf32, #tpu.memory_space<vmem>>
    %dma_start3A_168 = tpu.memref_squeeze %dma_start3A_167 : memref<1x400x64xf32, #tpu.memory_space<vmem>> -> memref<400x64xf32, #tpu.memory_space<vmem>>
    tpu.enqueue_dma source(%dma_start3A_168 : memref<400x64xf32, #tpu.memory_space<vmem>>) target(%dma_start3A_164 : memref<400x64xf32, #tpu.memory_space<hbm>>) target_semaphore(%arg13 : memref<!tpu.dma_semaphore, #tpu.memory_space<semaphore_mem>>)
    %dma_wait3A_169 = arith.constant 1 : i32
    %dma_wait3A_170 = arith.constant 0 : i32
    %dma_wait3A_171 = arith.constant 0 : i32
    %dma_wait3A_172 = tpu.memref_slice %arg6[%dma_wait3A_169, %dma_wait3A_170, %dma_wait3A_171] : memref<4x400x64xf32, #tpu.memory_space<vmem>> -> memref<1x400x64xf32, #tpu.memory_space<vmem>>
    %dma_wait3A_173 = tpu.memref_squeeze %dma_wait3A_172 : memref<1x400x64xf32, #tpu.memory_space<vmem>> -> memref<400x64xf32, #tpu.memory_space<vmem>>
    %dma_wait3A_174 = arith.constant 0 : i32
    %dma_wait3A_175 = tpu.memref_slice %arg4[%mul3A_2, %dma_wait3A_174] : memref<819200x64xf32, #tpu.memory_space<hbm>> -> memref<400x64xf32, #tpu.memory_space<hbm>>
    %dma_wait3A_176 = arith.constant 0 : i32
    %dma_wait3A_177 = tpu.memref_slice %arg4[%mul3A_2, %dma_wait3A_176] : memref<819200x64xf32, #tpu.memory_space<hbm>> -> memref<400x64xf32, #tpu.memory_space<hbm>>
    %dma_wait3A_178 = arith.constant 0 : i32
    %dma_wait3A_179 = arith.constant 0 : i32
    %dma_wait3A_180 = tpu.memref_slice %arg6[%dma_wait3A_169, %dma_wait3A_178, %dma_wait3A_179] : memref<4x400x64xf32, #tpu.memory_space<vmem>> -> memref<1x400x64xf32, #tpu.memory_space<vmem>>
    %dma_wait3A_181 = tpu.memref_squeeze %dma_wait3A_180 : memref<1x400x64xf32, #tpu.memory_space<vmem>> -> memref<400x64xf32, #tpu.memory_space<vmem>>
    tpu.wait_dma2 semaphore(%arg12 : memref<!tpu.dma_semaphore, #tpu.memory_space<semaphore_mem>>) src(%dma_wait3A_181 : memref<400x64xf32, #tpu.memory_space<vmem>>) dst(%dma_wait3A_177 : memref<400x64xf32, #tpu.memory_space<hbm>>)
    %add3A_182 = arith.constant 2000 : i32
    %add3A_183 = arith.addi %mul3A_2, %add3A_182 : i32
    %run_scoped3A_184 = arith.constant 1 : i32
    "tpu.region"() ({
      %run_scoped3A_445 = tpu.sem_alloc : memref<!tpu.dma_semaphore, #tpu.memory_space<semaphore_mem>>
      %dma_start3A_446 = arith.constant 0 : i32
      %dma_start3A_447 = tpu.memref_slice %arg5[%run_scoped3A_184, %dma_start3A_446] : memref<4x400xi32, #tpu.memory_space<vmem>> -> memref<1x400xi32, #tpu.memory_space<vmem>>
      %dma_start3A_448 = tpu.memref_squeeze %dma_start3A_447 : memref<1x400xi32, #tpu.memory_space<vmem>> -> memref<400xi32, #tpu.memory_space<vmem>>
      %dma_start3A_449 = tpu.memref_slice %arg2[%add3A_183] : memref<819200xi32, #tpu.memory_space<hbm>> -> memref<400xi32, #tpu.memory_space<hbm>>
      %dma_start3A_450 = arith.constant 0 : i32
      %dma_start3A_451 = tpu.memref_slice %arg5[%run_scoped3A_184, %dma_start3A_450] : memref<4x400xi32, #tpu.memory_space<vmem>> -> memref<1x400xi32, #tpu.memory_space<vmem>>
      %dma_start3A_452 = tpu.memref_squeeze %dma_start3A_451 : memref<1x400xi32, #tpu.memory_space<vmem>> -> memref<400xi32, #tpu.memory_space<vmem>>
      %dma_start3A_453 = tpu.memref_slice %arg2[%add3A_183] : memref<819200xi32, #tpu.memory_space<hbm>> -> memref<400xi32, #tpu.memory_space<hbm>>
      tpu.enqueue_dma source(%dma_start3A_453 : memref<400xi32, #tpu.memory_space<hbm>>) target(%dma_start3A_452 : memref<400xi32, #tpu.memory_space<vmem>>) target_semaphore(%run_scoped3A_445 : memref<!tpu.dma_semaphore, #tpu.memory_space<semaphore_mem>>)
      %dma_wait3A_454 = arith.constant 0 : i32
      %dma_wait3A_455 = tpu.memref_slice %arg5[%run_scoped3A_184, %dma_wait3A_454] : memref<4x400xi32, #tpu.memory_space<vmem>> -> memref<1x400xi32, #tpu.memory_space<vmem>>
      %dma_wait3A_456 = tpu.memref_squeeze %dma_wait3A_455 : memref<1x400xi32, #tpu.memory_space<vmem>> -> memref<400xi32, #tpu.memory_space<vmem>>
      %dma_wait3A_457 = tpu.memref_slice %arg2[%add3A_183] : memref<819200xi32, #tpu.memory_space<hbm>> -> memref<400xi32, #tpu.memory_space<hbm>>
      %dma_wait3A_458 = arith.constant 0 : i32
      %dma_wait3A_459 = tpu.memref_slice %arg5[%run_scoped3A_184, %dma_wait3A_458] : memref<4x400xi32, #tpu.memory_space<vmem>> -> memref<1x400xi32, #tpu.memory_space<vmem>>
      %dma_wait3A_460 = tpu.memref_squeeze %dma_wait3A_459 : memref<1x400xi32, #tpu.memory_space<vmem>> -> memref<400xi32, #tpu.memory_space<vmem>>
      %dma_wait3A_461 = tpu.memref_slice %arg2[%add3A_183] : memref<819200xi32, #tpu.memory_space<hbm>> -> memref<400xi32, #tpu.memory_space<hbm>>
      tpu.wait_dma2 semaphore(%run_scoped3A_445 : memref<!tpu.dma_semaphore, #tpu.memory_space<semaphore_mem>>) src(%dma_wait3A_461 : memref<400xi32, #tpu.memory_space<hbm>>) dst(%dma_wait3A_460 : memref<400xi32, #tpu.memory_space<vmem>>)
      tpu.yield
    }) : () -> ()
    %dma_start3A_185 = arith.constant 1 : i32
    %dma_start3A_186 = arith.constant 1 : i32
    %dma_start3A_187 = arith.constant 0 : i32
    %dma_start3A_188 = arith.constant 0 : i32
    %dma_start3A_189 = tpu.memref_slice %arg6[%dma_start3A_186, %dma_start3A_187, %dma_start3A_188] : memref<4x400x64xf32, #tpu.memory_space<vmem>> -> memref<1x400x64xf32, #tpu.memory_space<vmem>>
    %dma_start3A_190 = tpu.memref_squeeze %dma_start3A_189 : memref<1x400x64xf32, #tpu.memory_space<vmem>> -> memref<400x64xf32, #tpu.memory_space<vmem>>
    %dma_start3A_191 = arith.constant 0 : i32
    %dma_start3A_192 = tpu.memref_slice %arg5[%dma_start3A_185, %dma_start3A_191] : memref<4x400xi32, #tpu.memory_space<vmem>> -> memref<1x400xi32, #tpu.memory_space<vmem>>
    %dma_start3A_193 = tpu.memref_squeeze %dma_start3A_192 : memref<1x400xi32, #tpu.memory_space<vmem>> -> memref<400xi32, #tpu.memory_space<vmem>>
    %dma_start3A_194 = arith.constant 0 : i32
    %dma_start3A_195 = arith.constant 0 : i32
    %dma_start3A_196 = tpu.memref_slice %arg3[%dma_start3A_194, %dma_start3A_195] : memref<1000000x64xf32, #tpu.memory_space<hbm>> -> memref<1000000x64xf32, #tpu.memory_space<hbm>>
    tpu.enqueue_indirect_dma source(%dma_start3A_196 : memref<1000000x64xf32, #tpu.memory_space<hbm>>) target(%dma_start3A_190 : memref<400x64xf32, #tpu.memory_space<vmem>>) offsets(%dma_start3A_193 : memref<400xi32, #tpu.memory_space<vmem>>) semaphore(%arg8 : memref<!tpu.dma_semaphore, #tpu.memory_space<semaphore_mem>>)
    %dma_wait3A_197 = arith.constant 3 : i32
    %dma_wait3A_198 = arith.constant 3 : i32
    %dma_wait3A_199 = arith.constant 0 : i32
    %dma_wait3A_200 = arith.constant 0 : i32
    %dma_wait3A_201 = tpu.memref_slice %arg6[%dma_wait3A_198, %dma_wait3A_199, %dma_wait3A_200] : memref<4x400x64xf32, #tpu.memory_space<vmem>> -> memref<1x400x64xf32, #tpu.memory_space<vmem>>
    %dma_wait3A_202 = tpu.memref_squeeze %dma_wait3A_201 : memref<1x400x64xf32, #tpu.memory_space<vmem>> -> memref<400x64xf32, #tpu.memory_space<vmem>>
    %dma_wait3A_203 = arith.constant 0 : i32
    %dma_wait3A_204 = tpu.memref_slice %arg5[%dma_wait3A_197, %dma_wait3A_203] : memref<4x400xi32, #tpu.memory_space<vmem>> -> memref<1x400xi32, #tpu.memory_space<vmem>>
    %dma_wait3A_205 = tpu.memref_squeeze %dma_wait3A_204 : memref<1x400xi32, #tpu.memory_space<vmem>> -> memref<400xi32, #tpu.memory_space<vmem>>
    %dma_wait3A_206 = arith.constant 0 : i32
    %dma_wait3A_207 = arith.constant 0 : i32
    %dma_wait3A_208 = tpu.memref_slice %arg3[%dma_wait3A_206, %dma_wait3A_207] : memref<1000000x64xf32, #tpu.memory_space<hbm>> -> memref<1000000x64xf32, #tpu.memory_space<hbm>>
    tpu.wait_indirect_dma semaphore(%arg10 : memref<!tpu.dma_semaphore, #tpu.memory_space<semaphore_mem>>) src(%dma_wait3A_208 : memref<1000000x64xf32, #tpu.memory_space<hbm>>) dst(%dma_wait3A_202 : memref<400x64xf32, #tpu.memory_space<vmem>>)
    %add3A_209 = arith.constant 1200 : i32
    %add3A_210 = arith.addi %mul3A_2, %add3A_209 : i32
    %dma_start3A_211 = arith.constant 3 : i32
    %dma_start3A_212 = arith.constant 0 : i32
    %dma_start3A_213 = arith.constant 0 : i32
    %dma_start3A_214 = tpu.memref_slice %arg6[%dma_start3A_211, %dma_start3A_212, %dma_start3A_213] : memref<4x400x64xf32, #tpu.memory_space<vmem>> -> memref<1x400x64xf32, #tpu.memory_space<vmem>>
    %dma_start3A_215 = tpu.memref_squeeze %dma_start3A_214 : memref<1x400x64xf32, #tpu.memory_space<vmem>> -> memref<400x64xf32, #tpu.memory_space<vmem>>
    %dma_start3A_216 = arith.constant 0 : i32
    %dma_start3A_217 = tpu.memref_slice %arg4[%add3A_210, %dma_start3A_216] : memref<819200x64xf32, #tpu.memory_space<hbm>> -> memref<400x64xf32, #tpu.memory_space<hbm>>
    %dma_start3A_218 = arith.constant 0 : i32
    %dma_start3A_219 = tpu.memref_slice %arg4[%add3A_210, %dma_start3A_218] : memref<819200x64xf32, #tpu.memory_space<hbm>> -> memref<400x64xf32, #tpu.memory_space<hbm>>
    %dma_start3A_220 = arith.constant 0 : i32
    %dma_start3A_221 = arith.constant 0 : i32
    %dma_start3A_222 = tpu.memref_slice %arg6[%dma_start3A_211, %dma_start3A_220, %dma_start3A_221] : memref<4x400x64xf32, #tpu.memory_space<vmem>> -> memref<1x400x64xf32, #tpu.memory_space<vmem>>
    %dma_start3A_223 = tpu.memref_squeeze %dma_start3A_222 : memref<1x400x64xf32, #tpu.memory_space<vmem>> -> memref<400x64xf32, #tpu.memory_space<vmem>>
    tpu.enqueue_dma source(%dma_start3A_223 : memref<400x64xf32, #tpu.memory_space<vmem>>) target(%dma_start3A_219 : memref<400x64xf32, #tpu.memory_space<hbm>>) target_semaphore(%arg14 : memref<!tpu.dma_semaphore, #tpu.memory_space<semaphore_mem>>)
    %scan3A = arith.constant 0 : i32
    %scan3A_224 = arith.constant 1 : i32
    %scan3A_225 = arith.constant 14 : i32
    %scan3A_226 = arith.addi %scan3A_224, %scan3A_225 : i32
    %scan3A_227 = arith.constant 1 : i32
    scf.for %scan3A_445 = %scan3A_224 to %scan3A_226 step %scan3A_227  : i32 {
      %mul3A_446 = arith.constant 4 : i32
      %mul3A_447 = arith.muli %scan3A_445, %mul3A_446 : i32
      %add3A_448 = arith.constant 0 : i32
      %add3A_449 = arith.addi %mul3A_447, %add3A_448 : i32
      %dma_wait3A_450 = arith.constant 2 : i32
      %dma_wait3A_451 = arith.constant 0 : i32
      %dma_wait3A_452 = arith.constant 0 : i32
      %dma_wait3A_453 = tpu.memref_slice %arg6[%dma_wait3A_450, %dma_wait3A_451, %dma_wait3A_452] : memref<4x400x64xf32, #tpu.memory_space<vmem>> -> memref<1x400x64xf32, #tpu.memory_space<vmem>>
      %dma_wait3A_454 = tpu.memref_squeeze %dma_wait3A_453 : memref<1x400x64xf32, #tpu.memory_space<vmem>> -> memref<400x64xf32, #tpu.memory_space<vmem>>
      %dma_wait3A_455 = arith.constant 0 : i32
      %dma_wait3A_456 = tpu.memref_slice %arg4[%mul3A_2, %dma_wait3A_455] : memref<819200x64xf32, #tpu.memory_space<hbm>> -> memref<400x64xf32, #tpu.memory_space<hbm>>
      %dma_wait3A_457 = arith.constant 0 : i32
      %dma_wait3A_458 = tpu.memref_slice %arg4[%mul3A_2, %dma_wait3A_457] : memref<819200x64xf32, #tpu.memory_space<hbm>> -> memref<400x64xf32, #tpu.memory_space<hbm>>
      %dma_wait3A_459 = arith.constant 0 : i32
      %dma_wait3A_460 = arith.constant 0 : i32
      %dma_wait3A_461 = tpu.memref_slice %arg6[%dma_wait3A_450, %dma_wait3A_459, %dma_wait3A_460] : memref<4x400x64xf32, #tpu.memory_space<vmem>> -> memref<1x400x64xf32, #tpu.memory_space<vmem>>
      %dma_wait3A_462 = tpu.memref_squeeze %dma_wait3A_461 : memref<1x400x64xf32, #tpu.memory_space<vmem>> -> memref<400x64xf32, #tpu.memory_space<vmem>>
      tpu.wait_dma2 semaphore(%arg13 : memref<!tpu.dma_semaphore, #tpu.memory_space<semaphore_mem>>) src(%dma_wait3A_462 : memref<400x64xf32, #tpu.memory_space<vmem>>) dst(%dma_wait3A_458 : memref<400x64xf32, #tpu.memory_space<hbm>>)
      %add3A_463 = arith.constant 2 : i32
      %add3A_464 = arith.addi %add3A_449, %add3A_463 : i32
      %mul3A_465 = arith.constant 400 : i32
      %mul3A_466 = arith.muli %add3A_464, %mul3A_465 : i32
      %add3A_467 = arith.addi %mul3A_2, %mul3A_466 : i32
      %run_scoped3A_468 = arith.constant 2 : i32
      "tpu.region"() ({
        %run_scoped3A_698 = tpu.sem_alloc : memref<!tpu.dma_semaphore, #tpu.memory_space<semaphore_mem>>
        %dma_start3A_699 = arith.constant 0 : i32
        %dma_start3A_700 = tpu.memref_slice %arg5[%run_scoped3A_468, %dma_start3A_699] : memref<4x400xi32, #tpu.memory_space<vmem>> -> memref<1x400xi32, #tpu.memory_space<vmem>>
        %dma_start3A_701 = tpu.memref_squeeze %dma_start3A_700 : memref<1x400xi32, #tpu.memory_space<vmem>> -> memref<400xi32, #tpu.memory_space<vmem>>
        %dma_start3A_702 = tpu.memref_slice %arg2[%add3A_467] : memref<819200xi32, #tpu.memory_space<hbm>> -> memref<400xi32, #tpu.memory_space<hbm>>
        %dma_start3A_703 = arith.constant 0 : i32
        %dma_start3A_704 = tpu.memref_slice %arg5[%run_scoped3A_468, %dma_start3A_703] : memref<4x400xi32, #tpu.memory_space<vmem>> -> memref<1x400xi32, #tpu.memory_space<vmem>>
        %dma_start3A_705 = tpu.memref_squeeze %dma_start3A_704 : memref<1x400xi32, #tpu.memory_space<vmem>> -> memref<400xi32, #tpu.memory_space<vmem>>
        %dma_start3A_706 = tpu.memref_slice %arg2[%add3A_467] : memref<819200xi32, #tpu.memory_space<hbm>> -> memref<400xi32, #tpu.memory_space<hbm>>
        tpu.enqueue_dma source(%dma_start3A_706 : memref<400xi32, #tpu.memory_space<hbm>>) target(%dma_start3A_705 : memref<400xi32, #tpu.memory_space<vmem>>) target_semaphore(%run_scoped3A_698 : memref<!tpu.dma_semaphore, #tpu.memory_space<semaphore_mem>>)
        %dma_wait3A_707 = arith.constant 0 : i32
        %dma_wait3A_708 = tpu.memref_slice %arg5[%run_scoped3A_468, %dma_wait3A_707] : memref<4x400xi32, #tpu.memory_space<vmem>> -> memref<1x400xi32, #tpu.memory_space<vmem>>
        %dma_wait3A_709 = tpu.memref_squeeze %dma_wait3A_708 : memref<1x400xi32, #tpu.memory_space<vmem>> -> memref<400xi32, #tpu.memory_space<vmem>>
        %dma_wait3A_710 = tpu.memref_slice %arg2[%add3A_467] : memref<819200xi32, #tpu.memory_space<hbm>> -> memref<400xi32, #tpu.memory_space<hbm>>
        %dma_wait3A_711 = arith.constant 0 : i32
        %dma_wait3A_712 = tpu.memref_slice %arg5[%run_scoped3A_468, %dma_wait3A_711] : memref<4x400xi32, #tpu.memory_space<vmem>> -> memref<1x400xi32, #tpu.memory_space<vmem>>
        %dma_wait3A_713 = tpu.memref_squeeze %dma_wait3A_712 : memref<1x400xi32, #tpu.memory_space<vmem>> -> memref<400xi32, #tpu.memory_space<vmem>>
        %dma_wait3A_714 = tpu.memref_slice %arg2[%add3A_467] : memref<819200xi32, #tpu.memory_space<hbm>> -> memref<400xi32, #tpu.memory_space<hbm>>
        tpu.wait_dma2 semaphore(%run_scoped3A_698 : memref<!tpu.dma_semaphore, #tpu.memory_space<semaphore_mem>>) src(%dma_wait3A_714 : memref<400xi32, #tpu.memory_space<hbm>>) dst(%dma_wait3A_713 : memref<400xi32, #tpu.memory_space<vmem>>)
        tpu.yield
      }) : () -> ()
      %dma_start3A_469 = arith.constant 2 : i32
      %dma_start3A_470 = arith.constant 2 : i32
      %dma_start3A_471 = arith.constant 0 : i32
      %dma_start3A_472 = arith.constant 0 : i32
      %dma_start3A_473 = tpu.memref_slice %arg6[%dma_start3A_470, %dma_start3A_471, %dma_start3A_472] : memref<4x400x64xf32, #tpu.memory_space<vmem>> -> memref<1x400x64xf32, #tpu.memory_space<vmem>>
      %dma_start3A_474 = tpu.memref_squeeze %dma_start3A_473 : memref<1x400x64xf32, #tpu.memory_space<vmem>> -> memref<400x64xf32, #tpu.memory_space<vmem>>
      %dma_start3A_475 = arith.constant 0 : i32
      %dma_start3A_476 = tpu.memref_slice %arg5[%dma_start3A_469, %dma_start3A_475] : memref<4x400xi32, #tpu.memory_space<vmem>> -> memref<1x400xi32, #tpu.memory_space<vmem>>
      %dma_start3A_477 = tpu.memref_squeeze %dma_start3A_476 : memref<1x400xi32, #tpu.memory_space<vmem>> -> memref<400xi32, #tpu.memory_space<vmem>>
      %dma_start3A_478 = arith.constant 0 : i32
      %dma_start3A_479 = arith.constant 0 : i32
      %dma_start3A_480 = tpu.memref_slice %arg3[%dma_start3A_478, %dma_start3A_479] : memref<1000000x64xf32, #tpu.memory_space<hbm>> -> memref<1000000x64xf32, #tpu.memory_space<hbm>>
      tpu.enqueue_indirect_dma source(%dma_start3A_480 : memref<1000000x64xf32, #tpu.memory_space<hbm>>) target(%dma_start3A_474 : memref<400x64xf32, #tpu.memory_space<vmem>>) offsets(%dma_start3A_477 : memref<400xi32, #tpu.memory_space<vmem>>) semaphore(%arg9 : memref<!tpu.dma_semaphore, #tpu.memory_space<semaphore_mem>>)
      %dma_wait3A_481 = arith.constant 0 : i32
      %dma_wait3A_482 = arith.constant 0 : i32
      %dma_wait3A_483 = arith.constant 0 : i32
      %dma_wait3A_484 = arith.constant 0 : i32
      %dma_wait3A_485 = tpu.memref_slice %arg6[%dma_wait3A_482, %dma_wait3A_483, %dma_wait3A_484] : memref<4x400x64xf32, #tpu.memory_space<vmem>> -> memref<1x400x64xf32, #tpu.memory_space<vmem>>
      %dma_wait3A_486 = tpu.memref_squeeze %dma_wait3A_485 : memref<1x400x64xf32, #tpu.memory_space<vmem>> -> memref<400x64xf32, #tpu.memory_space<vmem>>
      %dma_wait3A_487 = arith.constant 0 : i32
      %dma_wait3A_488 = tpu.memref_slice %arg5[%dma_wait3A_481, %dma_wait3A_487] : memref<4x400xi32, #tpu.memory_space<vmem>> -> memref<1x400xi32, #tpu.memory_space<vmem>>
      %dma_wait3A_489 = tpu.memref_squeeze %dma_wait3A_488 : memref<1x400xi32, #tpu.memory_space<vmem>> -> memref<400xi32, #tpu.memory_space<vmem>>
      %dma_wait3A_490 = arith.constant 0 : i32
      %dma_wait3A_491 = arith.constant 0 : i32
      %dma_wait3A_492 = tpu.memref_slice %arg3[%dma_wait3A_490, %dma_wait3A_491] : memref<1000000x64xf32, #tpu.memory_space<hbm>> -> memref<1000000x64xf32, #tpu.memory_space<hbm>>
      tpu.wait_indirect_dma semaphore(%arg7 : memref<!tpu.dma_semaphore, #tpu.memory_space<semaphore_mem>>) src(%dma_wait3A_492 : memref<1000000x64xf32, #tpu.memory_space<hbm>>) dst(%dma_wait3A_486 : memref<400x64xf32, #tpu.memory_space<vmem>>)
      %mul3A_493 = arith.constant 400 : i32
      %mul3A_494 = arith.muli %add3A_449, %mul3A_493 : i32
      %add3A_495 = arith.addi %mul3A_2, %mul3A_494 : i32
      %dma_start3A_496 = arith.constant 0 : i32
      %dma_start3A_497 = arith.constant 0 : i32
      %dma_start3A_498 = arith.constant 0 : i32
      %dma_start3A_499 = tpu.memref_slice %arg6[%dma_start3A_496, %dma_start3A_497, %dma_start3A_498] : memref<4x400x64xf32, #tpu.memory_space<vmem>> -> memref<1x400x64xf32, #tpu.memory_space<vmem>>
      %dma_start3A_500 = tpu.memref_squeeze %dma_start3A_499 : memref<1x400x64xf32, #tpu.memory_space<vmem>> -> memref<400x64xf32, #tpu.memory_space<vmem>>
      %dma_start3A_501 = arith.constant 0 : i32
      %dma_start3A_502 = tpu.memref_slice %arg4[%add3A_495, %dma_start3A_501] : memref<819200x64xf32, #tpu.memory_space<hbm>> -> memref<400x64xf32, #tpu.memory_space<hbm>>
      %dma_start3A_503 = arith.constant 0 : i32
      %dma_start3A_504 = tpu.memref_slice %arg4[%add3A_495, %dma_start3A_503] : memref<819200x64xf32, #tpu.memory_space<hbm>> -> memref<400x64xf32, #tpu.memory_space<hbm>>
      %dma_start3A_505 = arith.constant 0 : i32
      %dma_start3A_506 = arith.constant 0 : i32
      %dma_start3A_507 = tpu.memref_slice %arg6[%dma_start3A_496, %dma_start3A_505, %dma_start3A_506] : memref<4x400x64xf32, #tpu.memory_space<vmem>> -> memref<1x400x64xf32, #tpu.memory_space<vmem>>
      %dma_start3A_508 = tpu.memref_squeeze %dma_start3A_507 : memref<1x400x64xf32, #tpu.memory_space<vmem>> -> memref<400x64xf32, #tpu.memory_space<vmem>>
      tpu.enqueue_dma source(%dma_start3A_508 : memref<400x64xf32, #tpu.memory_space<vmem>>) target(%dma_start3A_504 : memref<400x64xf32, #tpu.memory_space<hbm>>) target_semaphore(%arg11 : memref<!tpu.dma_semaphore, #tpu.memory_space<semaphore_mem>>)
      %mul3A_509 = arith.constant 4 : i32
      %mul3A_510 = arith.muli %scan3A_445, %mul3A_509 : i32
      %add3A_511 = arith.constant 1 : i32
      %add3A_512 = arith.addi %mul3A_510, %add3A_511 : i32
      %dma_wait3A_513 = arith.constant 3 : i32
      %dma_wait3A_514 = arith.constant 0 : i32
      %dma_wait3A_515 = arith.constant 0 : i32
      %dma_wait3A_516 = tpu.memref_slice %arg6[%dma_wait3A_513, %dma_wait3A_514, %dma_wait3A_515] : memref<4x400x64xf32, #tpu.memory_space<vmem>> -> memref<1x400x64xf32, #tpu.memory_space<vmem>>
      %dma_wait3A_517 = tpu.memref_squeeze %dma_wait3A_516 : memref<1x400x64xf32, #tpu.memory_space<vmem>> -> memref<400x64xf32, #tpu.memory_space<vmem>>
      %dma_wait3A_518 = arith.constant 0 : i32
      %dma_wait3A_519 = tpu.memref_slice %arg4[%mul3A_2, %dma_wait3A_518] : memref<819200x64xf32, #tpu.memory_space<hbm>> -> memref<400x64xf32, #tpu.memory_space<hbm>>
      %dma_wait3A_520 = arith.constant 0 : i32
      %dma_wait3A_521 = tpu.memref_slice %arg4[%mul3A_2, %dma_wait3A_520] : memref<819200x64xf32, #tpu.memory_space<hbm>> -> memref<400x64xf32, #tpu.memory_space<hbm>>
      %dma_wait3A_522 = arith.constant 0 : i32
      %dma_wait3A_523 = arith.constant 0 : i32
      %dma_wait3A_524 = tpu.memref_slice %arg6[%dma_wait3A_513, %dma_wait3A_522, %dma_wait3A_523] : memref<4x400x64xf32, #tpu.memory_space<vmem>> -> memref<1x400x64xf32, #tpu.memory_space<vmem>>
      %dma_wait3A_525 = tpu.memref_squeeze %dma_wait3A_524 : memref<1x400x64xf32, #tpu.memory_space<vmem>> -> memref<400x64xf32, #tpu.memory_space<vmem>>
      tpu.wait_dma2 semaphore(%arg14 : memref<!tpu.dma_semaphore, #tpu.memory_space<semaphore_mem>>) src(%dma_wait3A_525 : memref<400x64xf32, #tpu.memory_space<vmem>>) dst(%dma_wait3A_521 : memref<400x64xf32, #tpu.memory_space<hbm>>)
      %add3A_526 = arith.constant 2 : i32
      %add3A_527 = arith.addi %add3A_512, %add3A_526 : i32
      %mul3A_528 = arith.constant 400 : i32
      %mul3A_529 = arith.muli %add3A_527, %mul3A_528 : i32
      %add3A_530 = arith.addi %mul3A_2, %mul3A_529 : i32
      %run_scoped3A_531 = arith.constant 3 : i32
      "tpu.region"() ({
        %run_scoped3A_698 = tpu.sem_alloc : memref<!tpu.dma_semaphore, #tpu.memory_space<semaphore_mem>>
        %dma_start3A_699 = arith.constant 0 : i32
        %dma_start3A_700 = tpu.memref_slice %arg5[%run_scoped3A_531, %dma_start3A_699] : memref<4x400xi32, #tpu.memory_space<vmem>> -> memref<1x400xi32, #tpu.memory_space<vmem>>
        %dma_start3A_701 = tpu.memref_squeeze %dma_start3A_700 : memref<1x400xi32, #tpu.memory_space<vmem>> -> memref<400xi32, #tpu.memory_space<vmem>>
        %dma_start3A_702 = tpu.memref_slice %arg2[%add3A_530] : memref<819200xi32, #tpu.memory_space<hbm>> -> memref<400xi32, #tpu.memory_space<hbm>>
        %dma_start3A_703 = arith.constant 0 : i32
        %dma_start3A_704 = tpu.memref_slice %arg5[%run_scoped3A_531, %dma_start3A_703] : memref<4x400xi32, #tpu.memory_space<vmem>> -> memref<1x400xi32, #tpu.memory_space<vmem>>
        %dma_start3A_705 = tpu.memref_squeeze %dma_start3A_704 : memref<1x400xi32, #tpu.memory_space<vmem>> -> memref<400xi32, #tpu.memory_space<vmem>>
        %dma_start3A_706 = tpu.memref_slice %arg2[%add3A_530] : memref<819200xi32, #tpu.memory_space<hbm>> -> memref<400xi32, #tpu.memory_space<hbm>>
        tpu.enqueue_dma source(%dma_start3A_706 : memref<400xi32, #tpu.memory_space<hbm>>) target(%dma_start3A_705 : memref<400xi32, #tpu.memory_space<vmem>>) target_semaphore(%run_scoped3A_698 : memref<!tpu.dma_semaphore, #tpu.memory_space<semaphore_mem>>)
        %dma_wait3A_707 = arith.constant 0 : i32
        %dma_wait3A_708 = tpu.memref_slice %arg5[%run_scoped3A_531, %dma_wait3A_707] : memref<4x400xi32, #tpu.memory_space<vmem>> -> memref<1x400xi32, #tpu.memory_space<vmem>>
        %dma_wait3A_709 = tpu.memref_squeeze %dma_wait3A_708 : memref<1x400xi32, #tpu.memory_space<vmem>> -> memref<400xi32, #tpu.memory_space<vmem>>
        %dma_wait3A_710 = tpu.memref_slice %arg2[%add3A_530] : memref<819200xi32, #tpu.memory_space<hbm>> -> memref<400xi32, #tpu.memory_space<hbm>>
        %dma_wait3A_711 = arith.constant 0 : i32
        %dma_wait3A_712 = tpu.memref_slice %arg5[%run_scoped3A_531, %dma_wait3A_711] : memref<4x400xi32, #tpu.memory_space<vmem>> -> memref<1x400xi32, #tpu.memory_space<vmem>>
        %dma_wait3A_713 = tpu.memref_squeeze %dma_wait3A_712 : memref<1x400xi32, #tpu.memory_space<vmem>> -> memref<400xi32, #tpu.memory_space<vmem>>
        %dma_wait3A_714 = tpu.memref_slice %arg2[%add3A_530] : memref<819200xi32, #tpu.memory_space<hbm>> -> memref<400xi32, #tpu.memory_space<hbm>>
        tpu.wait_dma2 semaphore(%run_scoped3A_698 : memref<!tpu.dma_semaphore, #tpu.memory_space<semaphore_mem>>) src(%dma_wait3A_714 : memref<400xi32, #tpu.memory_space<hbm>>) dst(%dma_wait3A_713 : memref<400xi32, #tpu.memory_space<vmem>>)
        tpu.yield
      }) : () -> ()
      %dma_start3A_532 = arith.constant 3 : i32
      %dma_start3A_533 = arith.constant 3 : i32
      %dma_start3A_534 = arith.constant 0 : i32
      %dma_start3A_535 = arith.constant 0 : i32
      %dma_start3A_536 = tpu.memref_slice %arg6[%dma_start3A_533, %dma_start3A_534, %dma_start3A_535] : memref<4x400x64xf32, #tpu.memory_space<vmem>> -> memref<1x400x64xf32, #tpu.memory_space<vmem>>
      %dma_start3A_537 = tpu.memref_squeeze %dma_start3A_536 : memref<1x400x64xf32, #tpu.memory_space<vmem>> -> memref<400x64xf32, #tpu.memory_space<vmem>>
      %dma_start3A_538 = arith.constant 0 : i32
      %dma_start3A_539 = tpu.memref_slice %arg5[%dma_start3A_532, %dma_start3A_538] : memref<4x400xi32, #tpu.memory_space<vmem>> -> memref<1x400xi32, #tpu.memory_space<vmem>>
      %dma_start3A_540 = tpu.memref_squeeze %dma_start3A_539 : memref<1x400xi32, #tpu.memory_space<vmem>> -> memref<400xi32, #tpu.memory_space<vmem>>
      %dma_start3A_541 = arith.constant 0 : i32
      %dma_start3A_542 = arith.constant 0 : i32
      %dma_start3A_543 = tpu.memref_slice %arg3[%dma_start3A_541, %dma_start3A_542] : memref<1000000x64xf32, #tpu.memory_space<hbm>> -> memref<1000000x64xf32, #tpu.memory_space<hbm>>
      tpu.enqueue_indirect_dma source(%dma_start3A_543 : memref<1000000x64xf32, #tpu.memory_space<hbm>>) target(%dma_start3A_537 : memref<400x64xf32, #tpu.memory_space<vmem>>) offsets(%dma_start3A_540 : memref<400xi32, #tpu.memory_space<vmem>>) semaphore(%arg10 : memref<!tpu.dma_semaphore, #tpu.memory_space<semaphore_mem>>)
      %dma_wait3A_544 = arith.constant 1 : i32
      %dma_wait3A_545 = arith.constant 1 : i32
      %dma_wait3A_546 = arith.constant 0 : i32
      %dma_wait3A_547 = arith.constant 0 : i32
      %dma_wait3A_548 = tpu.memref_slice %arg6[%dma_wait3A_545, %dma_wait3A_546, %dma_wait3A_547] : memref<4x400x64xf32, #tpu.memory_space<vmem>> -> memref<1x400x64xf32, #tpu.memory_space<vmem>>
      %dma_wait3A_549 = tpu.memref_squeeze %dma_wait3A_548 : memref<1x400x64xf32, #tpu.memory_space<vmem>> -> memref<400x64xf32, #tpu.memory_space<vmem>>
      %dma_wait3A_550 = arith.constant 0 : i32
      %dma_wait3A_551 = tpu.memref_slice %arg5[%dma_wait3A_544, %dma_wait3A_550] : memref<4x400xi32, #tpu.memory_space<vmem>> -> memref<1x400xi32, #tpu.memory_space<vmem>>
      %dma_wait3A_552 = tpu.memref_squeeze %dma_wait3A_551 : memref<1x400xi32, #tpu.memory_space<vmem>> -> memref<400xi32, #tpu.memory_space<vmem>>
      %dma_wait3A_553 = arith.constant 0 : i32
      %dma_wait3A_554 = arith.constant 0 : i32
      %dma_wait3A_555 = tpu.memref_slice %arg3[%dma_wait3A_553, %dma_wait3A_554] : memref<1000000x64xf32, #tpu.memory_space<hbm>> -> memref<1000000x64xf32, #tpu.memory_space<hbm>>
      tpu.wait_indirect_dma semaphore(%arg8 : memref<!tpu.dma_semaphore, #tpu.memory_space<semaphore_mem>>) src(%dma_wait3A_555 : memref<1000000x64xf32, #tpu.memory_space<hbm>>) dst(%dma_wait3A_549 : memref<400x64xf32, #tpu.memory_space<vmem>>)
      %mul3A_556 = arith.constant 400 : i32
      %mul3A_557 = arith.muli %add3A_512, %mul3A_556 : i32
      %add3A_558 = arith.addi %mul3A_2, %mul3A_557 : i32
      %dma_start3A_559 = arith.constant 1 : i32
      %dma_start3A_560 = arith.constant 0 : i32
      %dma_start3A_561 = arith.constant 0 : i32
      %dma_start3A_562 = tpu.memref_slice %arg6[%dma_start3A_559, %dma_start3A_560, %dma_start3A_561] : memref<4x400x64xf32, #tpu.memory_space<vmem>> -> memref<1x400x64xf32, #tpu.memory_space<vmem>>
      %dma_start3A_563 = tpu.memref_squeeze %dma_start3A_562 : memref<1x400x64xf32, #tpu.memory_space<vmem>> -> memref<400x64xf32, #tpu.memory_space<vmem>>
      %dma_start3A_564 = arith.constant 0 : i32
      %dma_start3A_565 = tpu.memref_slice %arg4[%add3A_558, %dma_start3A_564] : memref<819200x64xf32, #tpu.memory_space<hbm>> -> memref<400x64xf32, #tpu.memory_space<hbm>>
      %dma_start3A_566 = arith.constant 0 : i32
      %dma_start3A_567 = tpu.memref_slice %arg4[%add3A_558, %dma_start3A_566] : memref<819200x64xf32, #tpu.memory_space<hbm>> -> memref<400x64xf32, #tpu.memory_space<hbm>>
      %dma_start3A_568 = arith.constant 0 : i32
      %dma_start3A_569 = arith.constant 0 : i32
      %dma_start3A_570 = tpu.memref_slice %arg6[%dma_start3A_559, %dma_start3A_568, %dma_start3A_569] : memref<4x400x64xf32, #tpu.memory_space<vmem>> -> memref<1x400x64xf32, #tpu.memory_space<vmem>>
      %dma_start3A_571 = tpu.memref_squeeze %dma_start3A_570 : memref<1x400x64xf32, #tpu.memory_space<vmem>> -> memref<400x64xf32, #tpu.memory_space<vmem>>
      tpu.enqueue_dma source(%dma_start3A_571 : memref<400x64xf32, #tpu.memory_space<vmem>>) target(%dma_start3A_567 : memref<400x64xf32, #tpu.memory_space<hbm>>) target_semaphore(%arg12 : memref<!tpu.dma_semaphore, #tpu.memory_space<semaphore_mem>>)
      %mul3A_572 = arith.constant 4 : i32
      %mul3A_573 = arith.muli %scan3A_445, %mul3A_572 : i32
      %add3A_574 = arith.constant 2 : i32
      %add3A_575 = arith.addi %mul3A_573, %add3A_574 : i32
      %dma_wait3A_576 = arith.constant 0 : i32
      %dma_wait3A_577 = arith.constant 0 : i32
      %dma_wait3A_578 = arith.constant 0 : i32
      %dma_wait3A_579 = tpu.memref_slice %arg6[%dma_wait3A_576, %dma_wait3A_577, %dma_wait3A_578] : memref<4x400x64xf32, #tpu.memory_space<vmem>> -> memref<1x400x64xf32, #tpu.memory_space<vmem>>
      %dma_wait3A_580 = tpu.memref_squeeze %dma_wait3A_579 : memref<1x400x64xf32, #tpu.memory_space<vmem>> -> memref<400x64xf32, #tpu.memory_space<vmem>>
      %dma_wait3A_581 = arith.constant 0 : i32
      %dma_wait3A_582 = tpu.memref_slice %arg4[%mul3A_2, %dma_wait3A_581] : memref<819200x64xf32, #tpu.memory_space<hbm>> -> memref<400x64xf32, #tpu.memory_space<hbm>>
      %dma_wait3A_583 = arith.constant 0 : i32
      %dma_wait3A_584 = tpu.memref_slice %arg4[%mul3A_2, %dma_wait3A_583] : memref<819200x64xf32, #tpu.memory_space<hbm>> -> memref<400x64xf32, #tpu.memory_space<hbm>>
      %dma_wait3A_585 = arith.constant 0 : i32
      %dma_wait3A_586 = arith.constant 0 : i32
      %dma_wait3A_587 = tpu.memref_slice %arg6[%dma_wait3A_576, %dma_wait3A_585, %dma_wait3A_586] : memref<4x400x64xf32, #tpu.memory_space<vmem>> -> memref<1x400x64xf32, #tpu.memory_space<vmem>>
      %dma_wait3A_588 = tpu.memref_squeeze %dma_wait3A_587 : memref<1x400x64xf32, #tpu.memory_space<vmem>> -> memref<400x64xf32, #tpu.memory_space<vmem>>
      tpu.wait_dma2 semaphore(%arg11 : memref<!tpu.dma_semaphore, #tpu.memory_space<semaphore_mem>>) src(%dma_wait3A_588 : memref<400x64xf32, #tpu.memory_space<vmem>>) dst(%dma_wait3A_584 : memref<400x64xf32, #tpu.memory_space<hbm>>)
      %add3A_589 = arith.constant 2 : i32
      %add3A_590 = arith.addi %add3A_575, %add3A_589 : i32
      %mul3A_591 = arith.constant 400 : i32
      %mul3A_592 = arith.muli %add3A_590, %mul3A_591 : i32
      %add3A_593 = arith.addi %mul3A_2, %mul3A_592 : i32
      %run_scoped3A_594 = arith.constant 0 : i32
      "tpu.region"() ({
        %run_scoped3A_698 = tpu.sem_alloc : memref<!tpu.dma_semaphore, #tpu.memory_space<semaphore_mem>>
        %dma_start3A_699 = arith.constant 0 : i32
        %dma_start3A_700 = tpu.memref_slice %arg5[%run_scoped3A_594, %dma_start3A_699] : memref<4x400xi32, #tpu.memory_space<vmem>> -> memref<1x400xi32, #tpu.memory_space<vmem>>
        %dma_start3A_701 = tpu.memref_squeeze %dma_start3A_700 : memref<1x400xi32, #tpu.memory_space<vmem>> -> memref<400xi32, #tpu.memory_space<vmem>>
        %dma_start3A_702 = tpu.memref_slice %arg2[%add3A_593] : memref<819200xi32, #tpu.memory_space<hbm>> -> memref<400xi32, #tpu.memory_space<hbm>>
        %dma_start3A_703 = arith.constant 0 : i32
        %dma_start3A_704 = tpu.memref_slice %arg5[%run_scoped3A_594, %dma_start3A_703] : memref<4x400xi32, #tpu.memory_space<vmem>> -> memref<1x400xi32, #tpu.memory_space<vmem>>
        %dma_start3A_705 = tpu.memref_squeeze %dma_start3A_704 : memref<1x400xi32, #tpu.memory_space<vmem>> -> memref<400xi32, #tpu.memory_space<vmem>>
        %dma_start3A_706 = tpu.memref_slice %arg2[%add3A_593] : memref<819200xi32, #tpu.memory_space<hbm>> -> memref<400xi32, #tpu.memory_space<hbm>>
        tpu.enqueue_dma source(%dma_start3A_706 : memref<400xi32, #tpu.memory_space<hbm>>) target(%dma_start3A_705 : memref<400xi32, #tpu.memory_space<vmem>>) target_semaphore(%run_scoped3A_698 : memref<!tpu.dma_semaphore, #tpu.memory_space<semaphore_mem>>)
        %dma_wait3A_707 = arith.constant 0 : i32
        %dma_wait3A_708 = tpu.memref_slice %arg5[%run_scoped3A_594, %dma_wait3A_707] : memref<4x400xi32, #tpu.memory_space<vmem>> -> memref<1x400xi32, #tpu.memory_space<vmem>>
        %dma_wait3A_709 = tpu.memref_squeeze %dma_wait3A_708 : memref<1x400xi32, #tpu.memory_space<vmem>> -> memref<400xi32, #tpu.memory_space<vmem>>
        %dma_wait3A_710 = tpu.memref_slice %arg2[%add3A_593] : memref<819200xi32, #tpu.memory_space<hbm>> -> memref<400xi32, #tpu.memory_space<hbm>>
        %dma_wait3A_711 = arith.constant 0 : i32
        %dma_wait3A_712 = tpu.memref_slice %arg5[%run_scoped3A_594, %dma_wait3A_711] : memref<4x400xi32, #tpu.memory_space<vmem>> -> memref<1x400xi32, #tpu.memory_space<vmem>>
        %dma_wait3A_713 = tpu.memref_squeeze %dma_wait3A_712 : memref<1x400xi32, #tpu.memory_space<vmem>> -> memref<400xi32, #tpu.memory_space<vmem>>
        %dma_wait3A_714 = tpu.memref_slice %arg2[%add3A_593] : memref<819200xi32, #tpu.memory_space<hbm>> -> memref<400xi32, #tpu.memory_space<hbm>>
        tpu.wait_dma2 semaphore(%run_scoped3A_698 : memref<!tpu.dma_semaphore, #tpu.memory_space<semaphore_mem>>) src(%dma_wait3A_714 : memref<400xi32, #tpu.memory_space<hbm>>) dst(%dma_wait3A_713 : memref<400xi32, #tpu.memory_space<vmem>>)
        tpu.yield
      }) : () -> ()
      %dma_start3A_595 = arith.constant 0 : i32
      %dma_start3A_596 = arith.constant 0 : i32
      %dma_start3A_597 = arith.constant 0 : i32
      %dma_start3A_598 = arith.constant 0 : i32
      %dma_start3A_599 = tpu.memref_slice %arg6[%dma_start3A_596, %dma_start3A_597, %dma_start3A_598] : memref<4x400x64xf32, #tpu.memory_space<vmem>> -> memref<1x400x64xf32, #tpu.memory_space<vmem>>
      %dma_start3A_600 = tpu.memref_squeeze %dma_start3A_599 : memref<1x400x64xf32, #tpu.memory_space<vmem>> -> memref<400x64xf32, #tpu.memory_space<vmem>>
      %dma_start3A_601 = arith.constant 0 : i32
      %dma_start3A_602 = tpu.memref_slice %arg5[%dma_start3A_595, %dma_start3A_601] : memref<4x400xi32, #tpu.memory_space<vmem>> -> memref<1x400xi32, #tpu.memory_space<vmem>>
      %dma_start3A_603 = tpu.memref_squeeze %dma_start3A_602 : memref<1x400xi32, #tpu.memory_space<vmem>> -> memref<400xi32, #tpu.memory_space<vmem>>
      %dma_start3A_604 = arith.constant 0 : i32
      %dma_start3A_605 = arith.constant 0 : i32
      %dma_start3A_606 = tpu.memref_slice %arg3[%dma_start3A_604, %dma_start3A_605] : memref<1000000x64xf32, #tpu.memory_space<hbm>> -> memref<1000000x64xf32, #tpu.memory_space<hbm>>
      tpu.enqueue_indirect_dma source(%dma_start3A_606 : memref<1000000x64xf32, #tpu.memory_space<hbm>>) target(%dma_start3A_600 : memref<400x64xf32, #tpu.memory_space<vmem>>) offsets(%dma_start3A_603 : memref<400xi32, #tpu.memory_space<vmem>>) semaphore(%arg7 : memref<!tpu.dma_semaphore, #tpu.memory_space<semaphore_mem>>)
      %dma_wait3A_607 = arith.constant 2 : i32
      %dma_wait3A_608 = arith.constant 2 : i32
      %dma_wait3A_609 = arith.constant 0 : i32
      %dma_wait3A_610 = arith.constant 0 : i32
      %dma_wait3A_611 = tpu.memref_slice %arg6[%dma_wait3A_608, %dma_wait3A_609, %dma_wait3A_610] : memref<4x400x64xf32, #tpu.memory_space<vmem>> -> memref<1x400x64xf32, #tpu.memory_space<vmem>>
      %dma_wait3A_612 = tpu.memref_squeeze %dma_wait3A_611 : memref<1x400x64xf32, #tpu.memory_space<vmem>> -> memref<400x64xf32, #tpu.memory_space<vmem>>
      %dma_wait3A_613 = arith.constant 0 : i32
      %dma_wait3A_614 = tpu.memref_slice %arg5[%dma_wait3A_607, %dma_wait3A_613] : memref<4x400xi32, #tpu.memory_space<vmem>> -> memref<1x400xi32, #tpu.memory_space<vmem>>
      %dma_wait3A_615 = tpu.memref_squeeze %dma_wait3A_614 : memref<1x400xi32, #tpu.memory_space<vmem>> -> memref<400xi32, #tpu.memory_space<vmem>>
      %dma_wait3A_616 = arith.constant 0 : i32
      %dma_wait3A_617 = arith.constant 0 : i32
      %dma_wait3A_618 = tpu.memref_slice %arg3[%dma_wait3A_616, %dma_wait3A_617] : memref<1000000x64xf32, #tpu.memory_space<hbm>> -> memref<1000000x64xf32, #tpu.memory_space<hbm>>
      tpu.wait_indirect_dma semaphore(%arg9 : memref<!tpu.dma_semaphore, #tpu.memory_space<semaphore_mem>>) src(%dma_wait3A_618 : memref<1000000x64xf32, #tpu.memory_space<hbm>>) dst(%dma_wait3A_612 : memref<400x64xf32, #tpu.memory_space<vmem>>)
      %mul3A_619 = arith.constant 400 : i32
      %mul3A_620 = arith.muli %add3A_575, %mul3A_619 : i32
      %add3A_621 = arith.addi %mul3A_2, %mul3A_620 : i32
      %dma_start3A_622 = arith.constant 2 : i32
      %dma_start3A_623 = arith.constant 0 : i32
      %dma_start3A_624 = arith.constant 0 : i32
      %dma_start3A_625 = tpu.memref_slice %arg6[%dma_start3A_622, %dma_start3A_623, %dma_start3A_624] : memref<4x400x64xf32, #tpu.memory_space<vmem>> -> memref<1x400x64xf32, #tpu.memory_space<vmem>>
      %dma_start3A_626 = tpu.memref_squeeze %dma_start3A_625 : memref<1x400x64xf32, #tpu.memory_space<vmem>> -> memref<400x64xf32, #tpu.memory_space<vmem>>
      %dma_start3A_627 = arith.constant 0 : i32
      %dma_start3A_628 = tpu.memref_slice %arg4[%add3A_621, %dma_start3A_627] : memref<819200x64xf32, #tpu.memory_space<hbm>> -> memref<400x64xf32, #tpu.memory_space<hbm>>
      %dma_start3A_629 = arith.constant 0 : i32
      %dma_start3A_630 = tpu.memref_slice %arg4[%add3A_621, %dma_start3A_629] : memref<819200x64xf32, #tpu.memory_space<hbm>> -> memref<400x64xf32, #tpu.memory_space<hbm>>
      %dma_start3A_631 = arith.constant 0 : i32
      %dma_start3A_632 = arith.constant 0 : i32
      %dma_start3A_633 = tpu.memref_slice %arg6[%dma_start3A_622, %dma_start3A_631, %dma_start3A_632] : memref<4x400x64xf32, #tpu.memory_space<vmem>> -> memref<1x400x64xf32, #tpu.memory_space<vmem>>
      %dma_start3A_634 = tpu.memref_squeeze %dma_start3A_633 : memref<1x400x64xf32, #tpu.memory_space<vmem>> -> memref<400x64xf32, #tpu.memory_space<vmem>>
      tpu.enqueue_dma source(%dma_start3A_634 : memref<400x64xf32, #tpu.memory_space<vmem>>) target(%dma_start3A_630 : memref<400x64xf32, #tpu.memory_space<hbm>>) target_semaphore(%arg13 : memref<!tpu.dma_semaphore, #tpu.memory_space<semaphore_mem>>)
      %mul3A_635 = arith.constant 4 : i32
      %mul3A_636 = arith.muli %scan3A_445, %mul3A_635 : i32
      %add3A_637 = arith.constant 3 : i32
      %add3A_638 = arith.addi %mul3A_636, %add3A_637 : i32
      %dma_wait3A_639 = arith.constant 1 : i32
      %dma_wait3A_640 = arith.constant 0 : i32
      %dma_wait3A_641 = arith.constant 0 : i32
      %dma_wait3A_642 = tpu.memref_slice %arg6[%dma_wait3A_639, %dma_wait3A_640, %dma_wait3A_641] : memref<4x400x64xf32, #tpu.memory_space<vmem>> -> memref<1x400x64xf32, #tpu.memory_space<vmem>>
      %dma_wait3A_643 = tpu.memref_squeeze %dma_wait3A_642 : memref<1x400x64xf32, #tpu.memory_space<vmem>> -> memref<400x64xf32, #tpu.memory_space<vmem>>
      %dma_wait3A_644 = arith.constant 0 : i32
      %dma_wait3A_645 = tpu.memref_slice %arg4[%mul3A_2, %dma_wait3A_644] : memref<819200x64xf32, #tpu.memory_space<hbm>> -> memref<400x64xf32, #tpu.memory_space<hbm>>
      %dma_wait3A_646 = arith.constant 0 : i32
      %dma_wait3A_647 = tpu.memref_slice %arg4[%mul3A_2, %dma_wait3A_646] : memref<819200x64xf32, #tpu.memory_space<hbm>> -> memref<400x64xf32, #tpu.memory_space<hbm>>
      %dma_wait3A_648 = arith.constant 0 : i32
      %dma_wait3A_649 = arith.constant 0 : i32
      %dma_wait3A_650 = tpu.memref_slice %arg6[%dma_wait3A_639, %dma_wait3A_648, %dma_wait3A_649] : memref<4x400x64xf32, #tpu.memory_space<vmem>> -> memref<1x400x64xf32, #tpu.memory_space<vmem>>
      %dma_wait3A_651 = tpu.memref_squeeze %dma_wait3A_650 : memref<1x400x64xf32, #tpu.memory_space<vmem>> -> memref<400x64xf32, #tpu.memory_space<vmem>>
      tpu.wait_dma2 semaphore(%arg12 : memref<!tpu.dma_semaphore, #tpu.memory_space<semaphore_mem>>) src(%dma_wait3A_651 : memref<400x64xf32, #tpu.memory_space<vmem>>) dst(%dma_wait3A_647 : memref<400x64xf32, #tpu.memory_space<hbm>>)
      %add3A_652 = arith.constant 2 : i32
      %add3A_653 = arith.addi %add3A_638, %add3A_652 : i32
      %mul3A_654 = arith.constant 400 : i32
      %mul3A_655 = arith.muli %add3A_653, %mul3A_654 : i32
      %add3A_656 = arith.addi %mul3A_2, %mul3A_655 : i32
      %run_scoped3A_657 = arith.constant 1 : i32
      "tpu.region"() ({
        %run_scoped3A_698 = tpu.sem_alloc : memref<!tpu.dma_semaphore, #tpu.memory_space<semaphore_mem>>
        %dma_start3A_699 = arith.constant 0 : i32
        %dma_start3A_700 = tpu.memref_slice %arg5[%run_scoped3A_657, %dma_start3A_699] : memref<4x400xi32, #tpu.memory_space<vmem>> -> memref<1x400xi32, #tpu.memory_space<vmem>>
        %dma_start3A_701 = tpu.memref_squeeze %dma_start3A_700 : memref<1x400xi32, #tpu.memory_space<vmem>> -> memref<400xi32, #tpu.memory_space<vmem>>
        %dma_start3A_702 = tpu.memref_slice %arg2[%add3A_656] : memref<819200xi32, #tpu.memory_space<hbm>> -> memref<400xi32, #tpu.memory_space<hbm>>
        %dma_start3A_703 = arith.constant 0 : i32
        %dma_start3A_704 = tpu.memref_slice %arg5[%run_scoped3A_657, %dma_start3A_703] : memref<4x400xi32, #tpu.memory_space<vmem>> -> memref<1x400xi32, #tpu.memory_space<vmem>>
        %dma_start3A_705 = tpu.memref_squeeze %dma_start3A_704 : memref<1x400xi32, #tpu.memory_space<vmem>> -> memref<400xi32, #tpu.memory_space<vmem>>
        %dma_start3A_706 = tpu.memref_slice %arg2[%add3A_656] : memref<819200xi32, #tpu.memory_space<hbm>> -> memref<400xi32, #tpu.memory_space<hbm>>
        tpu.enqueue_dma source(%dma_start3A_706 : memref<400xi32, #tpu.memory_space<hbm>>) target(%dma_start3A_705 : memref<400xi32, #tpu.memory_space<vmem>>) target_semaphore(%run_scoped3A_698 : memref<!tpu.dma_semaphore, #tpu.memory_space<semaphore_mem>>)
        %dma_wait3A_707 = arith.constant 0 : i32
        %dma_wait3A_708 = tpu.memref_slice %arg5[%run_scoped3A_657, %dma_wait3A_707] : memref<4x400xi32, #tpu.memory_space<vmem>> -> memref<1x400xi32, #tpu.memory_space<vmem>>
        %dma_wait3A_709 = tpu.memref_squeeze %dma_wait3A_708 : memref<1x400xi32, #tpu.memory_space<vmem>> -> memref<400xi32, #tpu.memory_space<vmem>>
        %dma_wait3A_710 = tpu.memref_slice %arg2[%add3A_656] : memref<819200xi32, #tpu.memory_space<hbm>> -> memref<400xi32, #tpu.memory_space<hbm>>
        %dma_wait3A_711 = arith.constant 0 : i32
        %dma_wait3A_712 = tpu.memref_slice %arg5[%run_scoped3A_657, %dma_wait3A_711] : memref<4x400xi32, #tpu.memory_space<vmem>> -> memref<1x400xi32, #tpu.memory_space<vmem>>
        %dma_wait3A_713 = tpu.memref_squeeze %dma_wait3A_712 : memref<1x400xi32, #tpu.memory_space<vmem>> -> memref<400xi32, #tpu.memory_space<vmem>>
        %dma_wait3A_714 = tpu.memref_slice %arg2[%add3A_656] : memref<819200xi32, #tpu.memory_space<hbm>> -> memref<400xi32, #tpu.memory_space<hbm>>
        tpu.wait_dma2 semaphore(%run_scoped3A_698 : memref<!tpu.dma_semaphore, #tpu.memory_space<semaphore_mem>>) src(%dma_wait3A_714 : memref<400xi32, #tpu.memory_space<hbm>>) dst(%dma_wait3A_713 : memref<400xi32, #tpu.memory_space<vmem>>)
        tpu.yield
      }) : () -> ()
      %dma_start3A_658 = arith.constant 1 : i32
      %dma_start3A_659 = arith.constant 1 : i32
      %dma_start3A_660 = arith.constant 0 : i32
      %dma_start3A_661 = arith.constant 0 : i32
      %dma_start3A_662 = tpu.memref_slice %arg6[%dma_start3A_659, %dma_start3A_660, %dma_start3A_661] : memref<4x400x64xf32, #tpu.memory_space<vmem>> -> memref<1x400x64xf32, #tpu.memory_space<vmem>>
      %dma_start3A_663 = tpu.memref_squeeze %dma_start3A_662 : memref<1x400x64xf32, #tpu.memory_space<vmem>> -> memref<400x64xf32, #tpu.memory_space<vmem>>
      %dma_start3A_664 = arith.constant 0 : i32
      %dma_start3A_665 = tpu.memref_slice %arg5[%dma_start3A_658, %dma_start3A_664] : memref<4x400xi32, #tpu.memory_space<vmem>> -> memref<1x400xi32, #tpu.memory_space<vmem>>
      %dma_start3A_666 = tpu.memref_squeeze %dma_start3A_665 : memref<1x400xi32, #tpu.memory_space<vmem>> -> memref<400xi32, #tpu.memory_space<vmem>>
      %dma_start3A_667 = arith.constant 0 : i32
      %dma_start3A_668 = arith.constant 0 : i32
      %dma_start3A_669 = tpu.memref_slice %arg3[%dma_start3A_667, %dma_start3A_668] : memref<1000000x64xf32, #tpu.memory_space<hbm>> -> memref<1000000x64xf32, #tpu.memory_space<hbm>>
      tpu.enqueue_indirect_dma source(%dma_start3A_669 : memref<1000000x64xf32, #tpu.memory_space<hbm>>) target(%dma_start3A_663 : memref<400x64xf32, #tpu.memory_space<vmem>>) offsets(%dma_start3A_666 : memref<400xi32, #tpu.memory_space<vmem>>) semaphore(%arg8 : memref<!tpu.dma_semaphore, #tpu.memory_space<semaphore_mem>>)
      %dma_wait3A_670 = arith.constant 3 : i32
      %dma_wait3A_671 = arith.constant 3 : i32
      %dma_wait3A_672 = arith.constant 0 : i32
      %dma_wait3A_673 = arith.constant 0 : i32
      %dma_wait3A_674 = tpu.memref_slice %arg6[%dma_wait3A_671, %dma_wait3A_672, %dma_wait3A_673] : memref<4x400x64xf32, #tpu.memory_space<vmem>> -> memref<1x400x64xf32, #tpu.memory_space<vmem>>
      %dma_wait3A_675 = tpu.memref_squeeze %dma_wait3A_674 : memref<1x400x64xf32, #tpu.memory_space<vmem>> -> memref<400x64xf32, #tpu.memory_space<vmem>>
      %dma_wait3A_676 = arith.constant 0 : i32
      %dma_wait3A_677 = tpu.memref_slice %arg5[%dma_wait3A_670, %dma_wait3A_676] : memref<4x400xi32, #tpu.memory_space<vmem>> -> memref<1x400xi32, #tpu.memory_space<vmem>>
      %dma_wait3A_678 = tpu.memref_squeeze %dma_wait3A_677 : memref<1x400xi32, #tpu.memory_space<vmem>> -> memref<400xi32, #tpu.memory_space<vmem>>
      %dma_wait3A_679 = arith.constant 0 : i32
      %dma_wait3A_680 = arith.constant 0 : i32
      %dma_wait3A_681 = tpu.memref_slice %arg3[%dma_wait3A_679, %dma_wait3A_680] : memref<1000000x64xf32, #tpu.memory_space<hbm>> -> memref<1000000x64xf32, #tpu.memory_space<hbm>>
      tpu.wait_indirect_dma semaphore(%arg10 : memref<!tpu.dma_semaphore, #tpu.memory_space<semaphore_mem>>) src(%dma_wait3A_681 : memref<1000000x64xf32, #tpu.memory_space<hbm>>) dst(%dma_wait3A_675 : memref<400x64xf32, #tpu.memory_space<vmem>>)
      %mul3A_682 = arith.constant 400 : i32
      %mul3A_683 = arith.muli %add3A_638, %mul3A_682 : i32
      %add3A_684 = arith.addi %mul3A_2, %mul3A_683 : i32
      %dma_start3A_685 = arith.constant 3 : i32
      %dma_start3A_686 = arith.constant 0 : i32
      %dma_start3A_687 = arith.constant 0 : i32
      %dma_start3A_688 = tpu.memref_slice %arg6[%dma_start3A_685, %dma_start3A_686, %dma_start3A_687] : memref<4x400x64xf32, #tpu.memory_space<vmem>> -> memref<1x400x64xf32, #tpu.memory_space<vmem>>
      %dma_start3A_689 = tpu.memref_squeeze %dma_start3A_688 : memref<1x400x64xf32, #tpu.memory_space<vmem>> -> memref<400x64xf32, #tpu.memory_space<vmem>>
      %dma_start3A_690 = arith.constant 0 : i32
      %dma_start3A_691 = tpu.memref_slice %arg4[%add3A_684, %dma_start3A_690] : memref<819200x64xf32, #tpu.memory_space<hbm>> -> memref<400x64xf32, #tpu.memory_space<hbm>>
      %dma_start3A_692 = arith.constant 0 : i32
      %dma_start3A_693 = tpu.memref_slice %arg4[%add3A_684, %dma_start3A_692] : memref<819200x64xf32, #tpu.memory_space<hbm>> -> memref<400x64xf32, #tpu.memory_space<hbm>>
      %dma_start3A_694 = arith.constant 0 : i32
      %dma_start3A_695 = arith.constant 0 : i32
      %dma_start3A_696 = tpu.memref_slice %arg6[%dma_start3A_685, %dma_start3A_694, %dma_start3A_695] : memref<4x400x64xf32, #tpu.memory_space<vmem>> -> memref<1x400x64xf32, #tpu.memory_space<vmem>>
      %dma_start3A_697 = tpu.memref_squeeze %dma_start3A_696 : memref<1x400x64xf32, #tpu.memory_space<vmem>> -> memref<400x64xf32, #tpu.memory_space<vmem>>
      tpu.enqueue_dma source(%dma_start3A_697 : memref<400x64xf32, #tpu.memory_space<vmem>>) target(%dma_start3A_693 : memref<400x64xf32, #tpu.memory_space<hbm>>) target_semaphore(%arg14 : memref<!tpu.dma_semaphore, #tpu.memory_space<semaphore_mem>>)
    }
    %scan3A_228 = arith.constant 14 : i32
    %dma_wait3A_229 = arith.constant 2 : i32
    %dma_wait3A_230 = arith.constant 0 : i32
    %dma_wait3A_231 = arith.constant 0 : i32
    %dma_wait3A_232 = tpu.memref_slice %arg6[%dma_wait3A_229, %dma_wait3A_230, %dma_wait3A_231] : memref<4x400x64xf32, #tpu.memory_space<vmem>> -> memref<1x400x64xf32, #tpu.memory_space<vmem>>
    %dma_wait3A_233 = tpu.memref_squeeze %dma_wait3A_232 : memref<1x400x64xf32, #tpu.memory_space<vmem>> -> memref<400x64xf32, #tpu.memory_space<vmem>>
    %dma_wait3A_234 = arith.constant 0 : i32
    %dma_wait3A_235 = tpu.memref_slice %arg4[%mul3A_2, %dma_wait3A_234] : memref<819200x64xf32, #tpu.memory_space<hbm>> -> memref<400x64xf32, #tpu.memory_space<hbm>>
    %dma_wait3A_236 = arith.constant 0 : i32
    %dma_wait3A_237 = tpu.memref_slice %arg4[%mul3A_2, %dma_wait3A_236] : memref<819200x64xf32, #tpu.memory_space<hbm>> -> memref<400x64xf32, #tpu.memory_space<hbm>>
    %dma_wait3A_238 = arith.constant 0 : i32
    %dma_wait3A_239 = arith.constant 0 : i32
    %dma_wait3A_240 = tpu.memref_slice %arg6[%dma_wait3A_229, %dma_wait3A_238, %dma_wait3A_239] : memref<4x400x64xf32, #tpu.memory_space<vmem>> -> memref<1x400x64xf32, #tpu.memory_space<vmem>>
    %dma_wait3A_241 = tpu.memref_squeeze %dma_wait3A_240 : memref<1x400x64xf32, #tpu.memory_space<vmem>> -> memref<400x64xf32, #tpu.memory_space<vmem>>
    tpu.wait_dma2 semaphore(%arg13 : memref<!tpu.dma_semaphore, #tpu.memory_space<semaphore_mem>>) src(%dma_wait3A_241 : memref<400x64xf32, #tpu.memory_space<vmem>>) dst(%dma_wait3A_237 : memref<400x64xf32, #tpu.memory_space<hbm>>)
    %add3A_242 = arith.constant 24800 : i32
    %add3A_243 = arith.addi %mul3A_2, %add3A_242 : i32
    %run_scoped3A_244 = arith.constant 2 : i32
    "tpu.region"() ({
      %run_scoped3A_445 = tpu.sem_alloc : memref<!tpu.dma_semaphore, #tpu.memory_space<semaphore_mem>>
      %dma_start3A_446 = arith.constant 0 : i32
      %dma_start3A_447 = tpu.memref_slice %arg5[%run_scoped3A_244, %dma_start3A_446] : memref<4x400xi32, #tpu.memory_space<vmem>> -> memref<1x400xi32, #tpu.memory_space<vmem>>
      %dma_start3A_448 = tpu.memref_squeeze %dma_start3A_447 : memref<1x400xi32, #tpu.memory_space<vmem>> -> memref<400xi32, #tpu.memory_space<vmem>>
      %dma_start3A_449 = tpu.memref_slice %arg2[%add3A_243] : memref<819200xi32, #tpu.memory_space<hbm>> -> memref<400xi32, #tpu.memory_space<hbm>>
      %dma_start3A_450 = arith.constant 0 : i32
      %dma_start3A_451 = tpu.memref_slice %arg5[%run_scoped3A_244, %dma_start3A_450] : memref<4x400xi32, #tpu.memory_space<vmem>> -> memref<1x400xi32, #tpu.memory_space<vmem>>
      %dma_start3A_452 = tpu.memref_squeeze %dma_start3A_451 : memref<1x400xi32, #tpu.memory_space<vmem>> -> memref<400xi32, #tpu.memory_space<vmem>>
      %dma_start3A_453 = tpu.memref_slice %arg2[%add3A_243] : memref<819200xi32, #tpu.memory_space<hbm>> -> memref<400xi32, #tpu.memory_space<hbm>>
      tpu.enqueue_dma source(%dma_start3A_453 : memref<400xi32, #tpu.memory_space<hbm>>) target(%dma_start3A_452 : memref<400xi32, #tpu.memory_space<vmem>>) target_semaphore(%run_scoped3A_445 : memref<!tpu.dma_semaphore, #tpu.memory_space<semaphore_mem>>)
      %dma_wait3A_454 = arith.constant 0 : i32
      %dma_wait3A_455 = tpu.memref_slice %arg5[%run_scoped3A_244, %dma_wait3A_454] : memref<4x400xi32, #tpu.memory_space<vmem>> -> memref<1x400xi32, #tpu.memory_space<vmem>>
      %dma_wait3A_456 = tpu.memref_squeeze %dma_wait3A_455 : memref<1x400xi32, #tpu.memory_space<vmem>> -> memref<400xi32, #tpu.memory_space<vmem>>
      %dma_wait3A_457 = tpu.memref_slice %arg2[%add3A_243] : memref<819200xi32, #tpu.memory_space<hbm>> -> memref<400xi32, #tpu.memory_space<hbm>>
      %dma_wait3A_458 = arith.constant 0 : i32
      %dma_wait3A_459 = tpu.memref_slice %arg5[%run_scoped3A_244, %dma_wait3A_458] : memref<4x400xi32, #tpu.memory_space<vmem>> -> memref<1x400xi32, #tpu.memory_space<vmem>>
      %dma_wait3A_460 = tpu.memref_squeeze %dma_wait3A_459 : memref<1x400xi32, #tpu.memory_space<vmem>> -> memref<400xi32, #tpu.memory_space<vmem>>
      %dma_wait3A_461 = tpu.memref_slice %arg2[%add3A_243] : memref<819200xi32, #tpu.memory_space<hbm>> -> memref<400xi32, #tpu.memory_space<hbm>>
      tpu.wait_dma2 semaphore(%run_scoped3A_445 : memref<!tpu.dma_semaphore, #tpu.memory_space<semaphore_mem>>) src(%dma_wait3A_461 : memref<400xi32, #tpu.memory_space<hbm>>) dst(%dma_wait3A_460 : memref<400xi32, #tpu.memory_space<vmem>>)
      tpu.yield
    }) : () -> ()
    %dma_start3A_245 = arith.constant 2 : i32
    %dma_start3A_246 = arith.constant 2 : i32
    %dma_start3A_247 = arith.constant 0 : i32
    %dma_start3A_248 = arith.constant 0 : i32
    %dma_start3A_249 = tpu.memref_slice %arg6[%dma_start3A_246, %dma_start3A_247, %dma_start3A_248] : memref<4x400x64xf32, #tpu.memory_space<vmem>> -> memref<1x400x64xf32, #tpu.memory_space<vmem>>
    %dma_start3A_250 = tpu.memref_squeeze %dma_start3A_249 : memref<1x400x64xf32, #tpu.memory_space<vmem>> -> memref<400x64xf32, #tpu.memory_space<vmem>>
    %dma_start3A_251 = arith.constant 0 : i32
    %dma_start3A_252 = tpu.memref_slice %arg5[%dma_start3A_245, %dma_start3A_251] : memref<4x400xi32, #tpu.memory_space<vmem>> -> memref<1x400xi32, #tpu.memory_space<vmem>>
    %dma_start3A_253 = tpu.memref_squeeze %dma_start3A_252 : memref<1x400xi32, #tpu.memory_space<vmem>> -> memref<400xi32, #tpu.memory_space<vmem>>
    %dma_start3A_254 = arith.constant 0 : i32
    %dma_start3A_255 = arith.constant 0 : i32
    %dma_start3A_256 = tpu.memref_slice %arg3[%dma_start3A_254, %dma_start3A_255] : memref<1000000x64xf32, #tpu.memory_space<hbm>> -> memref<1000000x64xf32, #tpu.memory_space<hbm>>
    tpu.enqueue_indirect_dma source(%dma_start3A_256 : memref<1000000x64xf32, #tpu.memory_space<hbm>>) target(%dma_start3A_250 : memref<400x64xf32, #tpu.memory_space<vmem>>) offsets(%dma_start3A_253 : memref<400xi32, #tpu.memory_space<vmem>>) semaphore(%arg9 : memref<!tpu.dma_semaphore, #tpu.memory_space<semaphore_mem>>)
    %dma_wait3A_257 = arith.constant 0 : i32
    %dma_wait3A_258 = arith.constant 0 : i32
    %dma_wait3A_259 = arith.constant 0 : i32
    %dma_wait3A_260 = arith.constant 0 : i32
    %dma_wait3A_261 = tpu.memref_slice %arg6[%dma_wait3A_258, %dma_wait3A_259, %dma_wait3A_260] : memref<4x400x64xf32, #tpu.memory_space<vmem>> -> memref<1x400x64xf32, #tpu.memory_space<vmem>>
    %dma_wait3A_262 = tpu.memref_squeeze %dma_wait3A_261 : memref<1x400x64xf32, #tpu.memory_space<vmem>> -> memref<400x64xf32, #tpu.memory_space<vmem>>
    %dma_wait3A_263 = arith.constant 0 : i32
    %dma_wait3A_264 = tpu.memref_slice %arg5[%dma_wait3A_257, %dma_wait3A_263] : memref<4x400xi32, #tpu.memory_space<vmem>> -> memref<1x400xi32, #tpu.memory_space<vmem>>
    %dma_wait3A_265 = tpu.memref_squeeze %dma_wait3A_264 : memref<1x400xi32, #tpu.memory_space<vmem>> -> memref<400xi32, #tpu.memory_space<vmem>>
    %dma_wait3A_266 = arith.constant 0 : i32
    %dma_wait3A_267 = arith.constant 0 : i32
    %dma_wait3A_268 = tpu.memref_slice %arg3[%dma_wait3A_266, %dma_wait3A_267] : memref<1000000x64xf32, #tpu.memory_space<hbm>> -> memref<1000000x64xf32, #tpu.memory_space<hbm>>
    tpu.wait_indirect_dma semaphore(%arg7 : memref<!tpu.dma_semaphore, #tpu.memory_space<semaphore_mem>>) src(%dma_wait3A_268 : memref<1000000x64xf32, #tpu.memory_space<hbm>>) dst(%dma_wait3A_262 : memref<400x64xf32, #tpu.memory_space<vmem>>)
    %add3A_269 = arith.constant 24000 : i32
    %add3A_270 = arith.addi %mul3A_2, %add3A_269 : i32
    %dma_start3A_271 = arith.constant 0 : i32
    %dma_start3A_272 = arith.constant 0 : i32
    %dma_start3A_273 = arith.constant 0 : i32
    %dma_start3A_274 = tpu.memref_slice %arg6[%dma_start3A_271, %dma_start3A_272, %dma_start3A_273] : memref<4x400x64xf32, #tpu.memory_space<vmem>> -> memref<1x400x64xf32, #tpu.memory_space<vmem>>
    %dma_start3A_275 = tpu.memref_squeeze %dma_start3A_274 : memref<1x400x64xf32, #tpu.memory_space<vmem>> -> memref<400x64xf32, #tpu.memory_space<vmem>>
    %dma_start3A_276 = arith.constant 0 : i32
    %dma_start3A_277 = tpu.memref_slice %arg4[%add3A_270, %dma_start3A_276] : memref<819200x64xf32, #tpu.memory_space<hbm>> -> memref<400x64xf32, #tpu.memory_space<hbm>>
    %dma_start3A_278 = arith.constant 0 : i32
    %dma_start3A_279 = tpu.memref_slice %arg4[%add3A_270, %dma_start3A_278] : memref<819200x64xf32, #tpu.memory_space<hbm>> -> memref<400x64xf32, #tpu.memory_space<hbm>>
    %dma_start3A_280 = arith.constant 0 : i32
    %dma_start3A_281 = arith.constant 0 : i32
    %dma_start3A_282 = tpu.memref_slice %arg6[%dma_start3A_271, %dma_start3A_280, %dma_start3A_281] : memref<4x400x64xf32, #tpu.memory_space<vmem>> -> memref<1x400x64xf32, #tpu.memory_space<vmem>>
    %dma_start3A_283 = tpu.memref_squeeze %dma_start3A_282 : memref<1x400x64xf32, #tpu.memory_space<vmem>> -> memref<400x64xf32, #tpu.memory_space<vmem>>
    tpu.enqueue_dma source(%dma_start3A_283 : memref<400x64xf32, #tpu.memory_space<vmem>>) target(%dma_start3A_279 : memref<400x64xf32, #tpu.memory_space<hbm>>) target_semaphore(%arg11 : memref<!tpu.dma_semaphore, #tpu.memory_space<semaphore_mem>>)
    %dma_wait3A_284 = arith.constant 3 : i32
    %dma_wait3A_285 = arith.constant 0 : i32
    %dma_wait3A_286 = arith.constant 0 : i32
    %dma_wait3A_287 = tpu.memref_slice %arg6[%dma_wait3A_284, %dma_wait3A_285, %dma_wait3A_286] : memref<4x400x64xf32, #tpu.memory_space<vmem>> -> memref<1x400x64xf32, #tpu.memory_space<vmem>>
    %dma_wait3A_288 = tpu.memref_squeeze %dma_wait3A_287 : memref<1x400x64xf32, #tpu.memory_space<vmem>> -> memref<400x64xf32, #tpu.memory_space<vmem>>
    %dma_wait3A_289 = arith.constant 0 : i32
    %dma_wait3A_290 = tpu.memref_slice %arg4[%mul3A_2, %dma_wait3A_289] : memref<819200x64xf32, #tpu.memory_space<hbm>> -> memref<400x64xf32, #tpu.memory_space<hbm>>
    %dma_wait3A_291 = arith.constant 0 : i32
    %dma_wait3A_292 = tpu.memref_slice %arg4[%mul3A_2, %dma_wait3A_291] : memref<819200x64xf32, #tpu.memory_space<hbm>> -> memref<400x64xf32, #tpu.memory_space<hbm>>
    %dma_wait3A_293 = arith.constant 0 : i32
    %dma_wait3A_294 = arith.constant 0 : i32
    %dma_wait3A_295 = tpu.memref_slice %arg6[%dma_wait3A_284, %dma_wait3A_293, %dma_wait3A_294] : memref<4x400x64xf32, #tpu.memory_space<vmem>> -> memref<1x400x64xf32, #tpu.memory_space<vmem>>
    %dma_wait3A_296 = tpu.memref_squeeze %dma_wait3A_295 : memref<1x400x64xf32, #tpu.memory_space<vmem>> -> memref<400x64xf32, #tpu.memory_space<vmem>>
    tpu.wait_dma2 semaphore(%arg14 : memref<!tpu.dma_semaphore, #tpu.memory_space<semaphore_mem>>) src(%dma_wait3A_296 : memref<400x64xf32, #tpu.memory_space<vmem>>) dst(%dma_wait3A_292 : memref<400x64xf32, #tpu.memory_space<hbm>>)
    %add3A_297 = arith.constant 25200 : i32
    %add3A_298 = arith.addi %mul3A_2, %add3A_297 : i32
    %run_scoped3A_299 = arith.constant 3 : i32
    "tpu.region"() ({
      %run_scoped3A_445 = tpu.sem_alloc : memref<!tpu.dma_semaphore, #tpu.memory_space<semaphore_mem>>
      %dma_start3A_446 = arith.constant 0 : i32
      %dma_start3A_447 = tpu.memref_slice %arg5[%run_scoped3A_299, %dma_start3A_446] : memref<4x400xi32, #tpu.memory_space<vmem>> -> memref<1x400xi32, #tpu.memory_space<vmem>>
      %dma_start3A_448 = tpu.memref_squeeze %dma_start3A_447 : memref<1x400xi32, #tpu.memory_space<vmem>> -> memref<400xi32, #tpu.memory_space<vmem>>
      %dma_start3A_449 = tpu.memref_slice %arg2[%add3A_298] : memref<819200xi32, #tpu.memory_space<hbm>> -> memref<400xi32, #tpu.memory_space<hbm>>
      %dma_start3A_450 = arith.constant 0 : i32
      %dma_start3A_451 = tpu.memref_slice %arg5[%run_scoped3A_299, %dma_start3A_450] : memref<4x400xi32, #tpu.memory_space<vmem>> -> memref<1x400xi32, #tpu.memory_space<vmem>>
      %dma_start3A_452 = tpu.memref_squeeze %dma_start3A_451 : memref<1x400xi32, #tpu.memory_space<vmem>> -> memref<400xi32, #tpu.memory_space<vmem>>
      %dma_start3A_453 = tpu.memref_slice %arg2[%add3A_298] : memref<819200xi32, #tpu.memory_space<hbm>> -> memref<400xi32, #tpu.memory_space<hbm>>
      tpu.enqueue_dma source(%dma_start3A_453 : memref<400xi32, #tpu.memory_space<hbm>>) target(%dma_start3A_452 : memref<400xi32, #tpu.memory_space<vmem>>) target_semaphore(%run_scoped3A_445 : memref<!tpu.dma_semaphore, #tpu.memory_space<semaphore_mem>>)
      %dma_wait3A_454 = arith.constant 0 : i32
      %dma_wait3A_455 = tpu.memref_slice %arg5[%run_scoped3A_299, %dma_wait3A_454] : memref<4x400xi32, #tpu.memory_space<vmem>> -> memref<1x400xi32, #tpu.memory_space<vmem>>
      %dma_wait3A_456 = tpu.memref_squeeze %dma_wait3A_455 : memref<1x400xi32, #tpu.memory_space<vmem>> -> memref<400xi32, #tpu.memory_space<vmem>>
      %dma_wait3A_457 = tpu.memref_slice %arg2[%add3A_298] : memref<819200xi32, #tpu.memory_space<hbm>> -> memref<400xi32, #tpu.memory_space<hbm>>
      %dma_wait3A_458 = arith.constant 0 : i32
      %dma_wait3A_459 = tpu.memref_slice %arg5[%run_scoped3A_299, %dma_wait3A_458] : memref<4x400xi32, #tpu.memory_space<vmem>> -> memref<1x400xi32, #tpu.memory_space<vmem>>
      %dma_wait3A_460 = tpu.memref_squeeze %dma_wait3A_459 : memref<1x400xi32, #tpu.memory_space<vmem>> -> memref<400xi32, #tpu.memory_space<vmem>>
      %dma_wait3A_461 = tpu.memref_slice %arg2[%add3A_298] : memref<819200xi32, #tpu.memory_space<hbm>> -> memref<400xi32, #tpu.memory_space<hbm>>
      tpu.wait_dma2 semaphore(%run_scoped3A_445 : memref<!tpu.dma_semaphore, #tpu.memory_space<semaphore_mem>>) src(%dma_wait3A_461 : memref<400xi32, #tpu.memory_space<hbm>>) dst(%dma_wait3A_460 : memref<400xi32, #tpu.memory_space<vmem>>)
      tpu.yield
    }) : () -> ()
    %dma_start3A_300 = arith.constant 3 : i32
    %dma_start3A_301 = arith.constant 3 : i32
    %dma_start3A_302 = arith.constant 0 : i32
    %dma_start3A_303 = arith.constant 0 : i32
    %dma_start3A_304 = tpu.memref_slice %arg6[%dma_start3A_301, %dma_start3A_302, %dma_start3A_303] : memref<4x400x64xf32, #tpu.memory_space<vmem>> -> memref<1x400x64xf32, #tpu.memory_space<vmem>>
    %dma_start3A_305 = tpu.memref_squeeze %dma_start3A_304 : memref<1x400x64xf32, #tpu.memory_space<vmem>> -> memref<400x64xf32, #tpu.memory_space<vmem>>
    %dma_start3A_306 = arith.constant 0 : i32
    %dma_start3A_307 = tpu.memref_slice %arg5[%dma_start3A_300, %dma_start3A_306] : memref<4x400xi32, #tpu.memory_space<vmem>> -> memref<1x400xi32, #tpu.memory_space<vmem>>
    %dma_start3A_308 = tpu.memref_squeeze %dma_start3A_307 : memref<1x400xi32, #tpu.memory_space<vmem>> -> memref<400xi32, #tpu.memory_space<vmem>>
    %dma_start3A_309 = arith.constant 0 : i32
    %dma_start3A_310 = arith.constant 0 : i32
    %dma_start3A_311 = tpu.memref_slice %arg3[%dma_start3A_309, %dma_start3A_310] : memref<1000000x64xf32, #tpu.memory_space<hbm>> -> memref<1000000x64xf32, #tpu.memory_space<hbm>>
    tpu.enqueue_indirect_dma source(%dma_start3A_311 : memref<1000000x64xf32, #tpu.memory_space<hbm>>) target(%dma_start3A_305 : memref<400x64xf32, #tpu.memory_space<vmem>>) offsets(%dma_start3A_308 : memref<400xi32, #tpu.memory_space<vmem>>) semaphore(%arg10 : memref<!tpu.dma_semaphore, #tpu.memory_space<semaphore_mem>>)
    %dma_wait3A_312 = arith.constant 1 : i32
    %dma_wait3A_313 = arith.constant 1 : i32
    %dma_wait3A_314 = arith.constant 0 : i32
    %dma_wait3A_315 = arith.constant 0 : i32
    %dma_wait3A_316 = tpu.memref_slice %arg6[%dma_wait3A_313, %dma_wait3A_314, %dma_wait3A_315] : memref<4x400x64xf32, #tpu.memory_space<vmem>> -> memref<1x400x64xf32, #tpu.memory_space<vmem>>
    %dma_wait3A_317 = tpu.memref_squeeze %dma_wait3A_316 : memref<1x400x64xf32, #tpu.memory_space<vmem>> -> memref<400x64xf32, #tpu.memory_space<vmem>>
    %dma_wait3A_318 = arith.constant 0 : i32
    %dma_wait3A_319 = tpu.memref_slice %arg5[%dma_wait3A_312, %dma_wait3A_318] : memref<4x400xi32, #tpu.memory_space<vmem>> -> memref<1x400xi32, #tpu.memory_space<vmem>>
    %dma_wait3A_320 = tpu.memref_squeeze %dma_wait3A_319 : memref<1x400xi32, #tpu.memory_space<vmem>> -> memref<400xi32, #tpu.memory_space<vmem>>
    %dma_wait3A_321 = arith.constant 0 : i32
    %dma_wait3A_322 = arith.constant 0 : i32
    %dma_wait3A_323 = tpu.memref_slice %arg3[%dma_wait3A_321, %dma_wait3A_322] : memref<1000000x64xf32, #tpu.memory_space<hbm>> -> memref<1000000x64xf32, #tpu.memory_space<hbm>>
    tpu.wait_indirect_dma semaphore(%arg8 : memref<!tpu.dma_semaphore, #tpu.memory_space<semaphore_mem>>) src(%dma_wait3A_323 : memref<1000000x64xf32, #tpu.memory_space<hbm>>) dst(%dma_wait3A_317 : memref<400x64xf32, #tpu.memory_space<vmem>>)
    %add3A_324 = arith.constant 24400 : i32
    %add3A_325 = arith.addi %mul3A_2, %add3A_324 : i32
    %dma_start3A_326 = arith.constant 1 : i32
    %dma_start3A_327 = arith.constant 0 : i32
    %dma_start3A_328 = arith.constant 0 : i32
    %dma_start3A_329 = tpu.memref_slice %arg6[%dma_start3A_326, %dma_start3A_327, %dma_start3A_328] : memref<4x400x64xf32, #tpu.memory_space<vmem>> -> memref<1x400x64xf32, #tpu.memory_space<vmem>>
    %dma_start3A_330 = tpu.memref_squeeze %dma_start3A_329 : memref<1x400x64xf32, #tpu.memory_space<vmem>> -> memref<400x64xf32, #tpu.memory_space<vmem>>
    %dma_start3A_331 = arith.constant 0 : i32
    %dma_start3A_332 = tpu.memref_slice %arg4[%add3A_325, %dma_start3A_331] : memref<819200x64xf32, #tpu.memory_space<hbm>> -> memref<400x64xf32, #tpu.memory_space<hbm>>
    %dma_start3A_333 = arith.constant 0 : i32
    %dma_start3A_334 = tpu.memref_slice %arg4[%add3A_325, %dma_start3A_333] : memref<819200x64xf32, #tpu.memory_space<hbm>> -> memref<400x64xf32, #tpu.memory_space<hbm>>
    %dma_start3A_335 = arith.constant 0 : i32
    %dma_start3A_336 = arith.constant 0 : i32
    %dma_start3A_337 = tpu.memref_slice %arg6[%dma_start3A_326, %dma_start3A_335, %dma_start3A_336] : memref<4x400x64xf32, #tpu.memory_space<vmem>> -> memref<1x400x64xf32, #tpu.memory_space<vmem>>
    %dma_start3A_338 = tpu.memref_squeeze %dma_start3A_337 : memref<1x400x64xf32, #tpu.memory_space<vmem>> -> memref<400x64xf32, #tpu.memory_space<vmem>>
    tpu.enqueue_dma source(%dma_start3A_338 : memref<400x64xf32, #tpu.memory_space<vmem>>) target(%dma_start3A_334 : memref<400x64xf32, #tpu.memory_space<hbm>>) target_semaphore(%arg12 : memref<!tpu.dma_semaphore, #tpu.memory_space<semaphore_mem>>)
    %dma_wait3A_339 = arith.constant 2 : i32
    %dma_wait3A_340 = arith.constant 2 : i32
    %dma_wait3A_341 = arith.constant 0 : i32
    %dma_wait3A_342 = arith.constant 0 : i32
    %dma_wait3A_343 = tpu.memref_slice %arg6[%dma_wait3A_340, %dma_wait3A_341, %dma_wait3A_342] : memref<4x400x64xf32, #tpu.memory_space<vmem>> -> memref<1x400x64xf32, #tpu.memory_space<vmem>>
    %dma_wait3A_344 = tpu.memref_squeeze %dma_wait3A_343 : memref<1x400x64xf32, #tpu.memory_space<vmem>> -> memref<400x64xf32, #tpu.memory_space<vmem>>
    %dma_wait3A_345 = arith.constant 0 : i32
    %dma_wait3A_346 = tpu.memref_slice %arg5[%dma_wait3A_339, %dma_wait3A_345] : memref<4x400xi32, #tpu.memory_space<vmem>> -> memref<1x400xi32, #tpu.memory_space<vmem>>
    %dma_wait3A_347 = tpu.memref_squeeze %dma_wait3A_346 : memref<1x400xi32, #tpu.memory_space<vmem>> -> memref<400xi32, #tpu.memory_space<vmem>>
    %dma_wait3A_348 = arith.constant 0 : i32
    %dma_wait3A_349 = arith.constant 0 : i32
    %dma_wait3A_350 = tpu.memref_slice %arg3[%dma_wait3A_348, %dma_wait3A_349] : memref<1000000x64xf32, #tpu.memory_space<hbm>> -> memref<1000000x64xf32, #tpu.memory_space<hbm>>
    tpu.wait_indirect_dma semaphore(%arg9 : memref<!tpu.dma_semaphore, #tpu.memory_space<semaphore_mem>>) src(%dma_wait3A_350 : memref<1000000x64xf32, #tpu.memory_space<hbm>>) dst(%dma_wait3A_344 : memref<400x64xf32, #tpu.memory_space<vmem>>)
    %add3A_351 = arith.constant 24800 : i32
    %add3A_352 = arith.addi %mul3A_2, %add3A_351 : i32
    %dma_start3A_353 = arith.constant 2 : i32
    %dma_start3A_354 = arith.constant 0 : i32
    %dma_start3A_355 = arith.constant 0 : i32
    %dma_start3A_356 = tpu.memref_slice %arg6[%dma_start3A_353, %dma_start3A_354, %dma_start3A_355] : memref<4x400x64xf32, #tpu.memory_space<vmem>> -> memref<1x400x64xf32, #tpu.memory_space<vmem>>
    %dma_start3A_357 = tpu.memref_squeeze %dma_start3A_356 : memref<1x400x64xf32, #tpu.memory_space<vmem>> -> memref<400x64xf32, #tpu.memory_space<vmem>>
    %dma_start3A_358 = arith.constant 0 : i32
    %dma_start3A_359 = tpu.memref_slice %arg4[%add3A_352, %dma_start3A_358] : memref<819200x64xf32, #tpu.memory_space<hbm>> -> memref<400x64xf32, #tpu.memory_space<hbm>>
    %dma_start3A_360 = arith.constant 0 : i32
    %dma_start3A_361 = tpu.memref_slice %arg4[%add3A_352, %dma_start3A_360] : memref<819200x64xf32, #tpu.memory_space<hbm>> -> memref<400x64xf32, #tpu.memory_space<hbm>>
    %dma_start3A_362 = arith.constant 0 : i32
    %dma_start3A_363 = arith.constant 0 : i32
    %dma_start3A_364 = tpu.memref_slice %arg6[%dma_start3A_353, %dma_start3A_362, %dma_start3A_363] : memref<4x400x64xf32, #tpu.memory_space<vmem>> -> memref<1x400x64xf32, #tpu.memory_space<vmem>>
    %dma_start3A_365 = tpu.memref_squeeze %dma_start3A_364 : memref<1x400x64xf32, #tpu.memory_space<vmem>> -> memref<400x64xf32, #tpu.memory_space<vmem>>
    tpu.enqueue_dma source(%dma_start3A_365 : memref<400x64xf32, #tpu.memory_space<vmem>>) target(%dma_start3A_361 : memref<400x64xf32, #tpu.memory_space<hbm>>) target_semaphore(%arg13 : memref<!tpu.dma_semaphore, #tpu.memory_space<semaphore_mem>>)
    %dma_wait3A_366 = arith.constant 3 : i32
    %dma_wait3A_367 = arith.constant 3 : i32
    %dma_wait3A_368 = arith.constant 0 : i32
    %dma_wait3A_369 = arith.constant 0 : i32
    %dma_wait3A_370 = tpu.memref_slice %arg6[%dma_wait3A_367, %dma_wait3A_368, %dma_wait3A_369] : memref<4x400x64xf32, #tpu.memory_space<vmem>> -> memref<1x400x64xf32, #tpu.memory_space<vmem>>
    %dma_wait3A_371 = tpu.memref_squeeze %dma_wait3A_370 : memref<1x400x64xf32, #tpu.memory_space<vmem>> -> memref<400x64xf32, #tpu.memory_space<vmem>>
    %dma_wait3A_372 = arith.constant 0 : i32
    %dma_wait3A_373 = tpu.memref_slice %arg5[%dma_wait3A_366, %dma_wait3A_372] : memref<4x400xi32, #tpu.memory_space<vmem>> -> memref<1x400xi32, #tpu.memory_space<vmem>>
    %dma_wait3A_374 = tpu.memref_squeeze %dma_wait3A_373 : memref<1x400xi32, #tpu.memory_space<vmem>> -> memref<400xi32, #tpu.memory_space<vmem>>
    %dma_wait3A_375 = arith.constant 0 : i32
    %dma_wait3A_376 = arith.constant 0 : i32
    %dma_wait3A_377 = tpu.memref_slice %arg3[%dma_wait3A_375, %dma_wait3A_376] : memref<1000000x64xf32, #tpu.memory_space<hbm>> -> memref<1000000x64xf32, #tpu.memory_space<hbm>>
    tpu.wait_indirect_dma semaphore(%arg10 : memref<!tpu.dma_semaphore, #tpu.memory_space<semaphore_mem>>) src(%dma_wait3A_377 : memref<1000000x64xf32, #tpu.memory_space<hbm>>) dst(%dma_wait3A_371 : memref<400x64xf32, #tpu.memory_space<vmem>>)
    %add3A_378 = arith.constant 25200 : i32
    %add3A_379 = arith.addi %mul3A_2, %add3A_378 : i32
    %dma_start3A_380 = arith.constant 3 : i32
    %dma_start3A_381 = arith.constant 0 : i32
    %dma_start3A_382 = arith.constant 0 : i32
    %dma_start3A_383 = tpu.memref_slice %arg6[%dma_start3A_380, %dma_start3A_381, %dma_start3A_382] : memref<4x400x64xf32, #tpu.memory_space<vmem>> -> memref<1x400x64xf32, #tpu.memory_space<vmem>>
    %dma_start3A_384 = tpu.memref_squeeze %dma_start3A_383 : memref<1x400x64xf32, #tpu.memory_space<vmem>> -> memref<400x64xf32, #tpu.memory_space<vmem>>
    %dma_start3A_385 = arith.constant 0 : i32
    %dma_start3A_386 = tpu.memref_slice %arg4[%add3A_379, %dma_start3A_385] : memref<819200x64xf32, #tpu.memory_space<hbm>> -> memref<400x64xf32, #tpu.memory_space<hbm>>
    %dma_start3A_387 = arith.constant 0 : i32
    %dma_start3A_388 = tpu.memref_slice %arg4[%add3A_379, %dma_start3A_387] : memref<819200x64xf32, #tpu.memory_space<hbm>> -> memref<400x64xf32, #tpu.memory_space<hbm>>
    %dma_start3A_389 = arith.constant 0 : i32
    %dma_start3A_390 = arith.constant 0 : i32
    %dma_start3A_391 = tpu.memref_slice %arg6[%dma_start3A_380, %dma_start3A_389, %dma_start3A_390] : memref<4x400x64xf32, #tpu.memory_space<vmem>> -> memref<1x400x64xf32, #tpu.memory_space<vmem>>
    %dma_start3A_392 = tpu.memref_squeeze %dma_start3A_391 : memref<1x400x64xf32, #tpu.memory_space<vmem>> -> memref<400x64xf32, #tpu.memory_space<vmem>>
    tpu.enqueue_dma source(%dma_start3A_392 : memref<400x64xf32, #tpu.memory_space<vmem>>) target(%dma_start3A_388 : memref<400x64xf32, #tpu.memory_space<hbm>>) target_semaphore(%arg14 : memref<!tpu.dma_semaphore, #tpu.memory_space<semaphore_mem>>)
    %dma_wait3A_393 = arith.constant 0 : i32
    %dma_wait3A_394 = arith.constant 0 : i32
    %dma_wait3A_395 = arith.constant 0 : i32
    %dma_wait3A_396 = tpu.memref_slice %arg6[%dma_wait3A_393, %dma_wait3A_394, %dma_wait3A_395] : memref<4x400x64xf32, #tpu.memory_space<vmem>> -> memref<1x400x64xf32, #tpu.memory_space<vmem>>
    %dma_wait3A_397 = tpu.memref_squeeze %dma_wait3A_396 : memref<1x400x64xf32, #tpu.memory_space<vmem>> -> memref<400x64xf32, #tpu.memory_space<vmem>>
    %dma_wait3A_398 = arith.constant 0 : i32
    %dma_wait3A_399 = tpu.memref_slice %arg4[%mul3A_2, %dma_wait3A_398] : memref<819200x64xf32, #tpu.memory_space<hbm>> -> memref<400x64xf32, #tpu.memory_space<hbm>>
    %dma_wait3A_400 = arith.constant 0 : i32
    %dma_wait3A_401 = tpu.memref_slice %arg4[%mul3A_2, %dma_wait3A_400] : memref<819200x64xf32, #tpu.memory_space<hbm>> -> memref<400x64xf32, #tpu.memory_space<hbm>>
    %dma_wait3A_402 = arith.constant 0 : i32
    %dma_wait3A_403 = arith.constant 0 : i32
    %dma_wait3A_404 = tpu.memref_slice %arg6[%dma_wait3A_393, %dma_wait3A_402, %dma_wait3A_403] : memref<4x400x64xf32, #tpu.memory_space<vmem>> -> memref<1x400x64xf32, #tpu.memory_space<vmem>>
    %dma_wait3A_405 = tpu.memref_squeeze %dma_wait3A_404 : memref<1x400x64xf32, #tpu.memory_space<vmem>> -> memref<400x64xf32, #tpu.memory_space<vmem>>
    tpu.wait_dma2 semaphore(%arg11 : memref<!tpu.dma_semaphore, #tpu.memory_space<semaphore_mem>>) src(%dma_wait3A_405 : memref<400x64xf32, #tpu.memory_space<vmem>>) dst(%dma_wait3A_401 : memref<400x64xf32, #tpu.memory_space<hbm>>)
    %dma_wait3A_406 = arith.constant 1 : i32
    %dma_wait3A_407 = arith.constant 0 : i32
    %dma_wait3A_408 = arith.constant 0 : i32
    %dma_wait3A_409 = tpu.memref_slice %arg6[%dma_wait3A_406, %dma_wait3A_407, %dma_wait3A_408] : memref<4x400x64xf32, #tpu.memory_space<vmem>> -> memref<1x400x64xf32, #tpu.memory_space<vmem>>
    %dma_wait3A_410 = tpu.memref_squeeze %dma_wait3A_409 : memref<1x400x64xf32, #tpu.memory_space<vmem>> -> memref<400x64xf32, #tpu.memory_space<vmem>>
    %dma_wait3A_411 = arith.constant 0 : i32
    %dma_wait3A_412 = tpu.memref_slice %arg4[%mul3A_2, %dma_wait3A_411] : memref<819200x64xf32, #tpu.memory_space<hbm>> -> memref<400x64xf32, #tpu.memory_space<hbm>>
    %dma_wait3A_413 = arith.constant 0 : i32
    %dma_wait3A_414 = tpu.memref_slice %arg4[%mul3A_2, %dma_wait3A_413] : memref<819200x64xf32, #tpu.memory_space<hbm>> -> memref<400x64xf32, #tpu.memory_space<hbm>>
    %dma_wait3A_415 = arith.constant 0 : i32
    %dma_wait3A_416 = arith.constant 0 : i32
    %dma_wait3A_417 = tpu.memref_slice %arg6[%dma_wait3A_406, %dma_wait3A_415, %dma_wait3A_416] : memref<4x400x64xf32, #tpu.memory_space<vmem>> -> memref<1x400x64xf32, #tpu.memory_space<vmem>>
    %dma_wait3A_418 = tpu.memref_squeeze %dma_wait3A_417 : memref<1x400x64xf32, #tpu.memory_space<vmem>> -> memref<400x64xf32, #tpu.memory_space<vmem>>
    tpu.wait_dma2 semaphore(%arg12 : memref<!tpu.dma_semaphore, #tpu.memory_space<semaphore_mem>>) src(%dma_wait3A_418 : memref<400x64xf32, #tpu.memory_space<vmem>>) dst(%dma_wait3A_414 : memref<400x64xf32, #tpu.memory_space<hbm>>)
    %dma_wait3A_419 = arith.constant 2 : i32
    %dma_wait3A_420 = arith.constant 0 : i32
    %dma_wait3A_421 = arith.constant 0 : i32
    %dma_wait3A_422 = tpu.memref_slice %arg6[%dma_wait3A_419, %dma_wait3A_420, %dma_wait3A_421] : memref<4x400x64xf32, #tpu.memory_space<vmem>> -> memref<1x400x64xf32, #tpu.memory_space<vmem>>
    %dma_wait3A_423 = tpu.memref_squeeze %dma_wait3A_422 : memref<1x400x64xf32, #tpu.memory_space<vmem>> -> memref<400x64xf32, #tpu.memory_space<vmem>>
    %dma_wait3A_424 = arith.constant 0 : i32
    %dma_wait3A_425 = tpu.memref_slice %arg4[%mul3A_2, %dma_wait3A_424] : memref<819200x64xf32, #tpu.memory_space<hbm>> -> memref<400x64xf32, #tpu.memory_space<hbm>>
    %dma_wait3A_426 = arith.constant 0 : i32
    %dma_wait3A_427 = tpu.memref_slice %arg4[%mul3A_2, %dma_wait3A_426] : memref<819200x64xf32, #tpu.memory_space<hbm>> -> memref<400x64xf32, #tpu.memory_space<hbm>>
    %dma_wait3A_428 = arith.constant 0 : i32
    %dma_wait3A_429 = arith.constant 0 : i32
    %dma_wait3A_430 = tpu.memref_slice %arg6[%dma_wait3A_419, %dma_wait3A_428, %dma_wait3A_429] : memref<4x400x64xf32, #tpu.memory_space<vmem>> -> memref<1x400x64xf32, #tpu.memory_space<vmem>>
    %dma_wait3A_431 = tpu.memref_squeeze %dma_wait3A_430 : memref<1x400x64xf32, #tpu.memory_space<vmem>> -> memref<400x64xf32, #tpu.memory_space<vmem>>
    tpu.wait_dma2 semaphore(%arg13 : memref<!tpu.dma_semaphore, #tpu.memory_space<semaphore_mem>>) src(%dma_wait3A_431 : memref<400x64xf32, #tpu.memory_space<vmem>>) dst(%dma_wait3A_427 : memref<400x64xf32, #tpu.memory_space<hbm>>)
    %dma_wait3A_432 = arith.constant 3 : i32
    %dma_wait3A_433 = arith.constant 0 : i32
    %dma_wait3A_434 = arith.constant 0 : i32
    %dma_wait3A_435 = tpu.memref_slice %arg6[%dma_wait3A_432, %dma_wait3A_433, %dma_wait3A_434] : memref<4x400x64xf32, #tpu.memory_space<vmem>> -> memref<1x400x64xf32, #tpu.memory_space<vmem>>
    %dma_wait3A_436 = tpu.memref_squeeze %dma_wait3A_435 : memref<1x400x64xf32, #tpu.memory_space<vmem>> -> memref<400x64xf32, #tpu.memory_space<vmem>>
    %dma_wait3A_437 = arith.constant 0 : i32
    %dma_wait3A_438 = tpu.memref_slice %arg4[%mul3A_2, %dma_wait3A_437] : memref<819200x64xf32, #tpu.memory_space<hbm>> -> memref<400x64xf32, #tpu.memory_space<hbm>>
    %dma_wait3A_439 = arith.constant 0 : i32
    %dma_wait3A_440 = tpu.memref_slice %arg4[%mul3A_2, %dma_wait3A_439] : memref<819200x64xf32, #tpu.memory_space<hbm>> -> memref<400x64xf32, #tpu.memory_space<hbm>>
    %dma_wait3A_441 = arith.constant 0 : i32
    %dma_wait3A_442 = arith.constant 0 : i32
    %dma_wait3A_443 = tpu.memref_slice %arg6[%dma_wait3A_432, %dma_wait3A_441, %dma_wait3A_442] : memref<4x400x64xf32, #tpu.memory_space<vmem>> -> memref<1x400x64xf32, #tpu.memory_space<vmem>>
    %dma_wait3A_444 = tpu.memref_squeeze %dma_wait3A_443 : memref<1x400x64xf32, #tpu.memory_space<vmem>> -> memref<400x64xf32, #tpu.memory_space<vmem>>
    tpu.wait_dma2 semaphore(%arg14 : memref<!tpu.dma_semaphore, #tpu.memory_space<semaphore_mem>>) src(%dma_wait3A_444 : memref<400x64xf32, #tpu.memory_space<vmem>>) dst(%dma_wait3A_440 : memref<400x64xf32, #tpu.memory_space<hbm>>)
    return
  }
}

</mosaic_0001>

<sc_bundles>
// kernel: kernel.3.cloned.1.call-start
scs
__scs_entry_jumppad:
0x0: {  	(pc) =	sbr.rel $0x88, $3  }
0x1: {  	(tag) =	ssettag $0x0;
	lr =	simm.s32 $0x1  }
0x2: {  	[smem:$0x3F9F] =	sst lr;
	_ =	strace $0xD0000000  }
0x3: {  	_ = 	snop  }
0x4: {  	_ = 	snop  }
0x5: {  	_ = 	snop  }
0x6: {  	_ = 	snop  }
0x7: {  	_ = 	snop  }
__scs_overlays_trampoline_lowered:
0x8: {  	[smem:$0x3FAE] =	sst s0  }
0x9: {  	[smem:$0x3FAF] =	sst s1  }
0xa: {  	[smem:$0x3FB0] =	sst s2  }
0xb: {  	[smem:$0x3FB1] =	sst s3  }
0xc: {  	[smem:$0x3FB2] =	sst s4  }
0xd: {  	[smem:$0x3FB3] =	sst s5  }
0xe: {  	[smem:$0x3FB4] =	sst s6  }
0xf: {  	[smem:$0x3FB5] =	sst s7  }
0x10: {  	[smem:$0x3FB6] =	sst s8  }
0x11: {  	[smem:$0x3FB7] =	sst s9;
	s0 =	simm.s32 @!p0 $0x0  }
0x12: {  	s1 =	sld [smem:$0x3F9D];
	s0 =	simm.s32 @p0 $0x1  }
0x13: {  	[smem:$0x3FB8] =	sst s0;
	s0 =	simm.s32 @!p1 $0x0  }
0x14: {  	s2 =	sld [smem:$0x3F9C];
	s0 =	simm.s32 @p1 $0x1  }
0x15: {  	[smem:$0x3FB9] =	sst s0;
	s0 =	simm.s32 @!p2 $0x0  }
0x16: {  	s3 =	sld [smem:$0x3FDB];
	s0 =	simm.s32 @p2 $0x1  }
0x17: {  	s4 =	simm.s32 $0x1BF5;
	[smem:$0x3FBB] =	sst s0  }
0x18: {  	s0 =	sld [smem:$0x3F9E];
	_ =	swait.ge [sflag:s4], $0x0  }
0x19: {  	s7 =	sld [smem:$0x3F9F]  }
0x1a: {  	s8 =	sadd.s32 $0xFFFFE003, lr  }
0x1b: {  	s9 =	sadd.s32 $0xFFFFFEF7, lr;
	s5 =	simm.s32 $0xFFFFFFFF;
	p2 =	slt.u32 s8, $0xFFFFF086  }
0x1c: {  	p1 =	slt.u32 s9, $0xF7A;
	s5 =	simm.s32 @!p2 $0x0  }
0x1d: {  	s5 =	simm.s32 @p1 $0x1;
	p0 =	seq.s32 s7, s2  }
0x1e: {  	s7 =	smul.u32 @!p0 $0xF7A, s2;
	p2 =	seq.s32 @!p0 s5, $0x0  }
0x1f: {  	s9 =	smul.u32 $0xF7A, s1;
	s8 =	simm.s32 @!p0 $0x1BF5;
	p2 =	por !p2, p0  }
0x20: {  	[sflag:s8] =	ssyncset.s32 @!p0 $0xFFFFF086;
	s6 =	sadd.s32 @!p0 s3, s7;
	s7 =	simm.s32 @!p0 $0x108  }
0x21: {  	s3 =	sadd.s32 s3, s9;
	s6 =	sadd.s32 @!p0 $0x88, s6;
	s7 =	simm.s32 @p2 $0x1082  }
0x22: {  	[simem:s7], [sflag:s8] =	dma.local @!p0 [hbm:s6], $0xF7A  }
0x23: {  	s9 =	sor.u32 $0xD0000000, s2;
	s6 =	simm.s32 $0x108;
	_ =	swait.ge @!p0 [sflag:s8], $0x0  }
0x24: {  	s3 =	sadd.s32 $0x88, s3;
	s6 =	simm.s32 @!p1 $0x1082;
	[sflag:s4] =	ssyncset.s32 $0xFFFFF086  }
0x25: {  	[simem:s6], [sflag:s4] =	dma.local [hbm:s3], $0xF7A  }
0x26: {  	[smem:$0x3F9F] =	sst s1;
	(tag) =	ssettag s2;
	_ =	strace s9  }
0x27: {  	s1 =	sld [smem:$0x3FAF]  }
0x28: {  	s2 =	sld [smem:$0x3FB0]  }
0x29: {  	s4 =	sld [smem:$0x3FB2]  }
0x2a: {  	p0 =	seq.s32 s5, $0x0;
	s5 =	sld [smem:$0x3FB3]  }
0x2b: {  	s6 =	sld [smem:$0x3FB4]  }
0x2c: {  	s7 =	sld [smem:$0x3FB5]  }
0x2d: {  	s3 =	simm.s32 $0x108;
	s8 =	sld [smem:$0x3FB6]  }
0x2e: {  	s3 =	simm.s32 @!p0 $0x1082;
	s9 =	sld [smem:$0x3FB7]  }
0x2f: {  	lr =	sadd.s32 s0, s3;
	s0 =	sld [smem:$0x3FAE]  }
0x30: {  	s3 =	sld [smem:$0x3FB1]  }
0x31: {  	[smem:$0x3FBA] =	sst s10  }
0x32: {  	s10 =	sld [smem:$0x3FB8];
	_ =	sdelay $0x3  }
0x33: {  	p0 =	seq.s32 s10, $0x1;
	s10 =	sld [smem:$0x3FBA];
	_ =	sdelay $0x3  }
0x34: {  	[smem:$0x3FBA] =	sst s10  }
0x35: {  	s10 =	sld [smem:$0x3FB9];
	_ =	sdelay $0x3  }
0x36: {  	p1 =	seq.s32 s10, $0x1;
	s10 =	sld [smem:$0x3FBA];
	_ =	sdelay $0x3  }
0x37: {  	[smem:$0x3FBA] =	sst s10  }
0x38: {  	s10 =	sld [smem:$0x3FBB]  }
0x39: {  	_ = 	snop;
	(pc) =	sbr.ind lr, $3  }
0x3a: {  	_ = 	snop  }
0x3b: {  	_ = 	snop  }
0x3c: {  	p2 =	seq.s32 s10, $0x1;
	s10 =	sld [smem:$0x3FBA]  }
0x3d: {  	_ =	shalt  }
0x3e: {  	_ =	shalt  }
0x3f: {  	_ =	shalt  }
0x40: {  	_ =	shalt  }
0x41: {  	_ =	shalt  }
0x42: {  	_ =	shalt  }
0x43: {  	_ =	shalt  }
0x44: {  	_ =	shalt  }
0x45: {  	_ =	shalt  }
0x46: {  	_ =	shalt  }
0x47: {  	_ =	shalt  }
0x48: {  	_ =	shalt  }
0x49: {  	_ =	shalt  }
0x4a: {  	_ =	shalt  }
0x4b: {  	_ =	shalt  }
0x4c: {  	_ =	shalt  }
0x4d: {  	_ =	shalt  }
0x4e: {  	_ =	shalt  }
0x4f: {  	_ =	shalt  }
0x50: {  	_ =	shalt  }
0x51: {  	_ =	shalt  }
0x52: {  	_ =	shalt  }
0x53: {  	_ =	shalt  }
0x54: {  	_ =	shalt  }
0x55: {  	_ =	shalt  }
0x56: {  	_ =	shalt  }
0x57: {  	_ =	shalt  }
0x58: {  	_ =	shalt  }
0x59: {  	_ =	shalt  }
0x5a: {  	_ =	shalt  }
0x5b: {  	_ =	shalt  }
0x5c: {  	_ =	shalt  }
0x5d: {  	_ =	shalt  }
0x5e: {  	_ =	shalt  }
0x5f: {  	_ =	shalt  }
0x60: {  	_ =	shalt  }
0x61: {  	_ =	shalt  }
0x62: {  	_ =	shalt  }
0x63: {  	_ =	shalt  }
0x64: {  	_ =	shalt  }
0x65: {  	_ =	shalt  }
0x66: {  	_ =	shalt  }
0x67: {  	_ =	shalt  }
0x68: {  	_ =	shalt  }
0x69: {  	_ =	shalt  }
0x6a: {  	_ =	shalt  }
0x6b: {  	_ =	shalt  }
0x6c: {  	_ =	shalt  }
0x6d: {  	_ =	shalt  }
0x6e: {  	_ =	shalt  }
0x6f: {  	_ =	shalt  }
0x70: {  	_ =	shalt  }
0x71: {  	_ =	shalt  }
0x72: {  	_ =	shalt  }
0x73: {  	_ =	shalt  }
0x74: {  	_ =	shalt  }
0x75: {  	_ =	shalt  }
0x76: {  	_ =	shalt  }
0x77: {  	_ =	shalt  }
0x78: {  	_ =	shalt  }
0x79: {  	_ =	shalt  }
0x7a: {  	_ =	shalt  }
0x7b: {  	_ =	shalt  }
0x7c: {  	_ =	shalt  }
0x7d: {  	_ =	shalt  }
0x7e: {  	_ =	shalt  }
0x7f: {  	_ =	shalt  }
0x80: {  	_ =	shalt  }
0x81: {  	_ =	shalt  }
0x82: {  	_ =	shalt  }
0x83: {  	_ =	shalt  }
0x84: {  	_ =	shalt  }
0x85: {  	_ =	shalt  }
0x86: {  	_ =	shalt  }
0x87: {  	_ =	shalt  }
.Lfunc_end0:
.L_simem_size_0:
called_computation.1_lowered:
.L_overlay_start_0:
0x88: {  	s2 =	sld [smem:$0x3FD9]  }
0x89: {  	s3 =	sld [smem:$0x3FFE];
	_ =	sdelay $0x1  }
0x8a: {  	s1 =	srdreg.scid  }
0x8b: {  	s0 =	sand.u32 $0x1, s1  }
0x8c: {  	s17 =	sshll.u32 s0, $0xA;
	s2 =	sadd.s32 s3, s2  }
0x8d: {  	s2 =	sadd.s32 s2, s17  }
0x8e: {  	[smem:$0x3FC6] =	sst s2  }
0x8f: {  	_ = 	snop  }
0x90: {  	s2 =	sld [smem:$0x3FD0];
	(tm) =	ssettm $0x1  }
0x91: {  	s18 =	sld [smem:$0x3FFB];
	_ =	sdelay $0x3  }
0x92: {  	_ =	strace s18  }
0x93: {  	s3 =	sld [smem:$0x3FFC];
	_ =	sdelay $0x3  }
0x94: {  	_ =	strace s3  }
0x95: {  	s3 =	sld [smem:$0x3FFD];
	_ =	sdelay $0x3  }
0x96: {  	_ =	strace s3  }
0x97: {  	_ =	strace $0x8FFFFFFF  }
0x98: {  	s19 =	sld [smem:$0x3FDB];
	_ =	sdelay $0x1  }
0x99: {  	s4 =	simm.s32 $_scs_section_size  }
0x9a: {  	s5 =	simm.s32 $_size__tile_overlayer_lowered;
	s6 =	simm.s32 $_tile_overlayer_lowered  }
0x9b: {  	s22 =	simm.s32 $0x1BFF;
	s21 =	sshll.u32 s6, $0x1;
	s3 =	sadd.s32 s4, s19  }
0x9c: {  	s7 =	simm.s32 $0x0;
	s20 =	sshll.u32 s5, $0x1;
	s5 =	sadd.s32 s21, s3  }
0x9d: {  	[timem:s7], [sflag:s22] =	dma.local [hbm:s5], s20  }
0x9e: {  	_ =	swait.ge [sflag:s22], s20  }
0x9f: {  	s4 =	ssub.s32 $0x0, s20;
	[sflag:s22] =	ssyncset.done $0x0  }
0xa0: {  	[sflag:s22] =	ssyncadd.s32 s4;
	_ =	sdelay $0x1  }
0xa1: {  	s23 =	simm.s32 $0x1B8B  }
0xa2: {  	_ =	swait.ge [sflag:s23], $0x1  }
0xa3: {  	[sflag:s23] =	ssyncset.done $0x0  }
0xa4: {  	s25 =	simm.s32 $0x1B8E;
	s24 =	sld [smem:$0x3FFE];
	[sflag:s23] =	ssyncadd.s32 $0xFFFFFFFF  }
0xa5: {  	s26 =	simm.s32 $execute0_lowered;
	[smem:$0x3FD2] =	sst s25  }
0xa6: {  	s5 =	sshll.u32 s26, $0x1;
	_ =	strace $0x80000046;
	[dreg:$0x1] =	wrdreg $0xFFFFFFFF  }
0xa7: {  	s28 =	simm.s32 $_size_execute0_lowered;
	s3 =	sadd.s32 s3, s5;
	[dreg:$0x0] =	wrdreg $0x0  }
0xa8: {  	s5 =	sshll.u32 s28, $0x1;
	[dreg:$0x2] =	wrdreg s3  }
0xa9: {  	[dreg:$0x3] =	wrdreg s5  }
0xaa: {  	[dreg:$0x4] =	wrdreg $0xC0  }
0xab: {  	_ =	task [dreg:s7], $0x5FFFF  }
0xac: {  	[dreg:$0x1] =	wrdreg $0xFFFFFFFF  }
0xad: {  	[dreg:$0x0] =	wrdreg $0x60  }
0xae: {  	[dreg:$0x2] =	wrdreg s24  }
0xaf: {  	[dreg:$0x3] =	wrdreg s2  }
0xb0: {  	[dreg:$0x4] =	wrdreg $0x9  }
0xb1: {  	_ =	task.clear_ibuf [dreg:s7], $0x5FFFF;
	_ =	strace $0x90000046  }
0xb2: {  	s29 =	simm.s32 $0x9;
	_ =	strace $0x80000048  }
0xb3: {  	_ =	swait.ge [sflag:s29], $0x1  }
0xb4: {  	[sflag:s29] =	ssyncadd.s32 $0xFFFFFFFF  }
0xb5: {  	_ =	strace $0x90000048  }
0xb6: {  	_ =	sfence  }
0xb7: {  	s30 =	sld [smem:$0x0];
	_ =	sdelay $0x2  }
0xb8: {  	s31 =	sshll.u32 s1, $0xD;
	s1 =	sshrl.u32 s1, $0x2  }
0xb9: {  	s3 =	sand.u32 $0x4000, s31;
	s1 =	sadd.s32 s1, s30  }
0xba: {  	s0 =	sor.u32 s3, s0;
	s1 =	sshll.u32 s1, $0x11  }
0xbb: {  	s0 =	sor.u32 s1, s0  }
0xbc: {  	s0 =	sadd.s32 $0x8F2B, s0  }
0xbd: {  	[sflag:s0] =	ssyncadd.remote.s32 $0x1  }
0xbe: {  	_ =	sfence.sel $0xFFFF  }
0xbf: {  	[dreg:$0x0] =	wrdreg $0xFFFFFFFF;
	(pc) =	sbr.abs _section_cstart, $3  }
0xc0: {  	[dreg:$0x1] =	wrdreg $0xFFFFFFFF  }
0xc1: {  	_ =	task.clear_ibuf [dreg:s7], $0x2FFFF;
	_ =	strace $0x9FFFFFFF  }
0xc2: {  	(tm) =	ssettm $0x7FFFFFFF  }
0xc3: {  	_ =	shalt  }
tec
execute0_lowered:
.L_overlay_start_1:
0x0: {  	(tag) =	ssettag $0x1  }
0x1: {  	s1 =	rddreg [dreg:$0x0]  }
0x2: {  	s2 =	srdreg.scid;
	s13 =	stileid.u32  }
0x3: {  	s0 =	rddreg [dreg:$0x1];
	s28 =	simm.s32 $0x640;
	s29 =	simm.s32 $0x6A40  }
0x4: {  	s30 =	simm.s32 $0x320;
	s31 =	simm.s32 $0xCE40;
	s4 =	sand.u32 $0x1, s2  }
0x5: {  	s3 =	sshll.u32 s13, $0x1;
	s2 =	simm.s32 $0x0;
	s23 =	smul.u32 $0xC800, s13  }
0x6: {  	s5 =	sor.u32 s4, s3;
	s8 =	ssub.s32 $0x2, s4;
	s4 =	smul.u32 $0x6400, s4  }
0x7: {  	s7 =	sadd.s32 $0xA00, s1;
	[smem:$0x7FF] =	sst s2;
	s6 =	smul.u32 $0x6400, s5  }
0x8: {  	s3 =	sadd.s32 $0xF42E00, s1;
	s16 =	sshrl.u32 s8, $0x1;
	s11 =	smul.u32 $0x32000, s5  }
0x9: {  	_ =	strace $0x80000047;
	s5 =	smul.u32 $0x190000, s5;
	s1 =	ssub.s32 s8, s16  }
0xa: {  	s4 =	sadd.s32 s4, s23;
	s9 =	sor.u32 $0x190, s6;
	s17 =	sshrl.u32 s6, $0x3  }
0xb: {  	s19 =	sor.u32 $0x320, s6;
	s12 =	sadd.s32 $0x4B0, s6;
	s11 =	sadd.s32 s0, s11  }
0xc: {  	s26 =	sadd.s32 $0x60E0, s6;
	s5 =	sshrl.u32 s5, $0x3;
	s6 =	sadd.s32 $0x6270, s6  }
0xd: {  	s13 =	sadd.s32 $0xAF0, s4;
	s1 =	smax.u32 s1, $0x1;
	s10 =	sshrl.u32 s9, $0x3  }
0xe: {  	s14 =	sadd.s32 s7, s17;
	s20 =	sshrl.u32 s19, $0x3;
	s21 =	sshrl.u32 s12, $0x3  }
0xf: {  	s9 =	sshll.u32 s9, $0x3;
	[dreg:$0xa] =	wrdreg s11;
	s8 =	sshll.u32 s19, $0x3  }
0x10: {  	s25 =	sshll.u32 s12, $0x3;
	s11 =	sshrl.u32 s26, $0x3;
	[dreg:$0x17] =	wrdreg s1  }
0x11: {  	s12 =	sadd.s32 $0xE10, s4;
	s18 =	sadd.s32 s7, s10;
	[dreg:$0x7] =	wrdreg s14  }
0x12: {  	s15 =	sshrl.u32 s13, $0x3;
	s10 =	sadd.s32 s7, s20;
	[dreg:$0x8] =	wrdreg s18  }
0x13: {  	s17 =	sadd.s32 $0x960, s4;
	s9 =	sadd.s32 s0, s9;
	[dreg:$0x9] =	wrdreg s10  }
0x14: {  	s5 =	sadd.s32 s0, s5;
	s22 =	sadd.s32 $0xC8, s14;
	[dreg:$0xc] =	wrdreg s9  }
0x15: {  	s8 =	sadd.s32 s0, s8;
	s24 =	sadd.s32 $0xFA, s14;
	[dreg:$0xd] =	wrdreg s22  }
0x16: {  	s16 =	sadd.s32 s15, s7;
	s19 =	sshrl.u32 s17, $0x3;
	[dreg:$0xe] =	wrdreg s8  }
0x17: {  	s20 =	sadd.s32 $0x2EE00, s5;
	s5 =	sadd.s32 $0x2FA80, s5;
	[dreg:$0xf] =	wrdreg s24  }
0x18: {  	s10 =	sadd.s32 s7, s21;
	s8 =	sadd.s32 s0, s25;
	[dreg:$0x5] =	wrdreg s16  }
0x19: {  	s9 =	sadd.s32 $0xC80, s4;
	s18 =	sshrl.u32 s6, $0x3;
	[dreg:$0x13] =	wrdreg s20  }
0x1a: {  	s21 =	sshll.u32 s26, $0x3;
	s6 =	sshll.u32 s6, $0x3;
	[dreg:$0x14] =	wrdreg s5  }
0x1b: {  	s24 =	sshll.u32 s4, $0x3;
	s25 =	sshll.u32 s13, $0x3;
	s26 =	sshll.u32 s17, $0x3  }
0x1c: {  	s5 =	simm.s32 $0x13240;
	s13 =	simm.s32 $0x0;
	[dreg:$0xb] =	wrdreg s10  }
0x1d: {  	[dreg:$0x10] =	wrdreg s8;
	s8 =	sadd.s32 s7, s11;
	s9 =	sshrl.u32 s9, $0x3  }
0x1e: {  	s22 =	sadd.s32 s0, s21;
	s23 =	sadd.s32 s0, s6;
	s1 =	sadd.s32 s0, s24  }
0x1f: {  	s6 =	simm.s32 $0x2;
	s10 =	simm.s32 $0x4;
	[dreg:$0x11] =	wrdreg s8  }
0x20: {  	s11 =	simm.s32 $0x7;
	s8 =	sshrl.u32 s12, $0x3;
	[dreg:$0x15] =	wrdreg s22  }
0x21: {  	s14 =	sadd.s32 s9, s7;
	s12 =	sadd.s32 s7, s18;
	[dreg:$0x16] =	wrdreg s23  }
0x22: {  	s18 =	sadd.s32 s25, s0;
	s22 =	sadd.s32 s26, s0;
	s23 =	sadd.s32 $0x3E80, s1  }
0x23: {  	s24 =	sadd.s32 $0x3200, s1;
	s25 =	simm.s32 $0x9;
	s26 =	simm.s32 $0x190  }
0x24: {  	s1 =	simm.s32 $0x1;
	s0 =	simm.s32 $0x4B0;
	[dreg:$0x4] =	wrdreg s14  }
0x25: {  	s9 =	simm.s32 $0x6;
	s8 =	sadd.s32 s8, s7;
	[dreg:$0x12] =	wrdreg s12  }
0x26: {  	s7 =	sadd.s32 s19, s7;
	s12 =	simm.s32 $0x8;
	[dreg:$0x3] =	wrdreg s8  }
0x27: {  	[dreg:$0x6] =	wrdreg s7;
	s7 =	simm.s32 $0x5;
	s8 =	simm.s32 $0x3  }
.LBB2_1:
0x28: {  	s4 =	rddreg [dreg:$0x7]  }
0x29: {  	[tilespmem:s2], [sflag:$0x9] =	stream.linear.gather [hbm4b:s4+s2], $0x190, $0x38;
	[tilespmem:$0x19640] =	vst v63  }
0x2a: {  	_ =	swait.ge [sflag:s25], $0x190  }
0x2b: {  	[sflag:s25] =	ssyncset.done $0x0  }
0x2c: {  	[sflag:s25] =	ssyncadd.s32 $0xFFFFFE70  }
0x2d: {  	[tilespmem:s28], [sflag:$0x1] =	stream.indirect.gather [hbm4b:s3+s26], $0x40, s2, s26, $0xb8;
	[tilespmem:$0x19640] =	vst v63  }
0x2e: {  	s15 =	rddreg [dreg:$0x8]  }
0x2f: {  	[tilespmem:s26], [sflag:$0x9] =	stream.linear.gather [hbm4b:s15+s2], $0x190, $0x38;
	[tilespmem:$0x19640] =	vst v63  }
0x30: {  	_ =	swait.ge [sflag:s25], $0x190  }
0x31: {  	[sflag:s25] =	ssyncset.done $0x0  }
0x32: {  	[sflag:s25] =	ssyncadd.s32 $0xFFFFFE70  }
0x33: {  	[tilespmem:s29], [sflag:$0x2] =	stream.indirect.gather [hbm4b:s3+s26], $0x40, s26, s26, $0xb8;
	[tilespmem:$0x19640] =	vst v63  }
0x34: {  	s16 =	rddreg [dreg:$0x9]  }
0x35: {  	[tilespmem:s30], [sflag:$0x9] =	stream.linear.gather [hbm4b:s16+s2], $0x190, $0x38;
	[tilespmem:$0x19640] =	vst v63  }
0x36: {  	_ =	swait.ge [sflag:s25], $0x190  }
0x37: {  	[sflag:s25] =	ssyncset.done $0x0  }
0x38: {  	[sflag:s25] =	ssyncadd.s32 $0xFFFFFE70  }
0x39: {  	[tilespmem:s31], [sflag:$0x3] =	stream.indirect.gather [hbm4b:s3+s26], $0x40, s30, s26, $0xb8;
	[tilespmem:$0x19640] =	vst v63  }
0x3a: {  	_ =	swait.ge [sflag:s1], $0x6400  }
0x3b: {  	[sflag:s1] =	ssyncset.done $0x0  }
0x3c: {  	s17 =	rddreg [dreg:$0xa];
	[sflag:s1] =	ssyncadd.s32 $0xFFFF9C00  }
0x3d: {  	[hbm4b:s17+s2] =	stream.linear.scatter [tilespmem:s28], [sflag:$0x5], $0x6400, $0x38;
	[tilespmem:$0x19640] =	vst v63  }
0x3e: {  	s19 =	rddreg [dreg:$0xb]  }
0x3f: {  	[tilespmem:s0], [sflag:$0x9] =	stream.linear.gather [hbm4b:s19+s2], $0x190, $0x38;
	[tilespmem:$0x19640] =	vst v63  }
0x40: {  	_ =	swait.ge [sflag:s25], $0x190  }
0x41: {  	[sflag:s25] =	ssyncset.done $0x0  }
0x42: {  	[sflag:s25] =	ssyncadd.s32 $0xFFFFFE70  }
0x43: {  	[tilespmem:s5], [sflag:$0x4] =	stream.indirect.gather [hbm4b:s3+s26], $0x40, s0, s26, $0xb8;
	[tilespmem:$0x19640] =	vst v63  }
0x44: {  	_ =	swait.ge [sflag:s6], $0x6400  }
0x45: {  	[sflag:s6] =	ssyncset.done $0x0  }
0x46: {  	s20 =	rddreg [dreg:$0xc];
	[sflag:s6] =	ssyncadd.s32 $0xFFFF9C00  }
0x47: {  	[hbm4b:s20+s2] =	stream.linear.scatter [tilespmem:s29], [sflag:$0x6], $0x6400, $0x38;
	[tilespmem:$0x19640] =	vst v63  }
0x48: {  	_ =	swait.ge [sflag:s7], $0x6400  }
0x49: {  	[sflag:s7] =	ssyncset.done $0x0  }
0x4a: {  	s21 =	rddreg [dreg:$0xd];
	[sflag:s7] =	ssyncadd.s32 $0xFFFF9C00  }
0x4b: {  	[tilespmem:s2], [sflag:$0x9] =	stream.linear.gather [hbm4b:s21+s2], $0x190, $0x38;
	[tilespmem:$0x19640] =	vst v63  }
0x4c: {  	_ =	swait.ge [sflag:s25], $0x190  }
0x4d: {  	[sflag:s25] =	ssyncset.done $0x0  }
0x4e: {  	[sflag:s25] =	ssyncadd.s32 $0xFFFFFE70  }
0x4f: {  	[tilespmem:s28], [sflag:$0x1] =	stream.indirect.gather [hbm4b:s3+s26], $0x40, s2, s26, $0xb8;
	[tilespmem:$0x19640] =	vst v63  }
0x50: {  	_ =	swait.ge [sflag:s8], $0x6400  }
0x51: {  	[sflag:s8] =	ssyncset.done $0x0  }
0x52: {  	s14 =	rddreg [dreg:$0xe];
	[sflag:s8] =	ssyncadd.s32 $0xFFFF9C00  }
0x53: {  	[hbm4b:s14+s2] =	stream.linear.scatter [tilespmem:s31], [sflag:$0x7], $0x6400, $0x38;
	[tilespmem:$0x19640] =	vst v63  }
0x54: {  	_ =	swait.ge [sflag:s9], $0x6400  }
0x55: {  	[sflag:s9] =	ssyncset.done $0x0  }
0x56: {  	s15 =	rddreg [dreg:$0xf];
	[sflag:s9] =	ssyncadd.s32 $0xFFFF9C00  }
0x57: {  	[tilespmem:s26], [sflag:$0x9] =	stream.linear.gather [hbm4b:s15+s2], $0x190, $0x38;
	[tilespmem:$0x19640] =	vst v63  }
0x58: {  	_ =	swait.ge [sflag:s25], $0x190  }
0x59: {  	[sflag:s25] =	ssyncset.done $0x0  }
0x5a: {  	[sflag:s25] =	ssyncadd.s32 $0xFFFFFE70  }
0x5b: {  	[tilespmem:s29], [sflag:$0x2] =	stream.indirect.gather [hbm4b:s3+s26], $0x40, s26, s26, $0xb8;
	[tilespmem:$0x19640] =	vst v63  }
0x5c: {  	_ =	swait.ge [sflag:s10], $0x6400  }
0x5d: {  	[sflag:s10] =	ssyncset.done $0x0  }
0x5e: {  	s16 =	rddreg [dreg:$0x10];
	[sflag:s10] =	ssyncadd.s32 $0xFFFF9C00  }
0x5f: {  	[hbm4b:s16+s2] =	stream.linear.scatter [tilespmem:s5], [sflag:$0x8], $0x6400, $0x38;
	[tilespmem:$0x19640] =	vst v63  }
0x60: {  	_ =	swait.ge [sflag:s11], $0x6400  }
0x61: {  	s17 =	rddreg [dreg:$0x6];
	[sflag:s11] =	ssyncset.done $0x0  }
0x62: {  	[sflag:s11] =	ssyncadd.s32 $0xFFFF9C00;
	s4 =	sadd.s32 $0x0, s17  }
0x63: {  	[tilespmem:s30], [sflag:$0x9] =	stream.linear.gather [hbm4b:s4+s2], $0x190, $0x38;
	[tilespmem:$0x19640] =	vst v63  }
0x64: {  	_ =	swait.ge [sflag:s25], $0x190  }
0x65: {  	[sflag:s25] =	ssyncset.done $0x0  }
0x66: {  	[sflag:s25] =	ssyncadd.s32 $0xFFFFFE70  }
0x67: {  	[tilespmem:s31], [sflag:$0x3] =	stream.indirect.gather [hbm4b:s3+s26], $0x40, s30, s26, $0xb8;
	[tilespmem:$0x19640] =	vst v63  }
0x68: {  	_ =	swait.ge [sflag:s1], $0x6400  }
0x69: {  	[sflag:s1] =	ssyncset.done $0x0  }
0x6a: {  	[sflag:s1] =	ssyncadd.s32 $0xFFFF9C00  }
0x6b: {  	[hbm4b:s24+s2] =	stream.linear.scatter [tilespmem:s28], [sflag:$0x5], $0x6400, $0x38;
	[tilespmem:$0x19640] =	vst v63  }
0x6c: {  	_ =	swait.ge [sflag:s12], $0x6400  }
0x6d: {  	s19 =	rddreg [dreg:$0x5];
	[sflag:s12] =	ssyncset.done $0x0  }
0x6e: {  	[sflag:s12] =	ssyncadd.s32 $0xFFFF9C00;
	s4 =	sadd.s32 $0x0, s19  }
0x6f: {  	[tilespmem:s0], [sflag:$0x9] =	stream.linear.gather [hbm4b:s4+s2], $0x190, $0x38;
	[tilespmem:$0x19640] =	vst v63  }
0x70: {  	_ =	swait.ge [sflag:s25], $0x190  }
0x71: {  	[sflag:s25] =	ssyncset.done $0x0  }
0x72: {  	[sflag:s25] =	ssyncadd.s32 $0xFFFFFE70  }
0x73: {  	[tilespmem:s5], [sflag:$0x4] =	stream.indirect.gather [hbm4b:s3+s26], $0x40, s0, s26, $0xb8;
	[tilespmem:$0x19640] =	vst v63  }
0x74: {  	_ =	swait.ge [sflag:s6], $0x6400  }
0x75: {  	[sflag:s6] =	ssyncset.done $0x0  }
0x76: {  	[sflag:s6] =	ssyncadd.s32 $0xFFFF9C00  }
0x77: {  	[hbm4b:s23+s2] =	stream.linear.scatter [tilespmem:s29], [sflag:$0x6], $0x6400, $0x38;
	[tilespmem:$0x19640] =	vst v63  }
0x78: {  	_ =	swait.ge [sflag:s7], $0x6400  }
0x79: {  	s20 =	rddreg [dreg:$0x4];
	[sflag:s7] =	ssyncset.done $0x0  }
0x7a: {  	[sflag:s7] =	ssyncadd.s32 $0xFFFF9C00;
	s4 =	sadd.s32 $0x0, s20  }
0x7b: {  	[tilespmem:s2], [sflag:$0x9] =	stream.linear.gather [hbm4b:s4+s2], $0x190, $0x38;
	[tilespmem:$0x19640] =	vst v63  }
0x7c: {  	_ =	swait.ge [sflag:s25], $0x190  }
0x7d: {  	[sflag:s25] =	ssyncset.done $0x0  }
0x7e: {  	[sflag:s25] =	ssyncadd.s32 $0xFFFFFE70  }
0x7f: {  	[tilespmem:s28], [sflag:$0x1] =	stream.indirect.gather [hbm4b:s3+s26], $0x40, s2, s26, $0xb8;
	[tilespmem:$0x19640] =	vst v63  }
0x80: {  	_ =	swait.ge [sflag:s8], $0x6400  }
0x81: {  	[sflag:s8] =	ssyncset.done $0x0  }
0x82: {  	[sflag:s8] =	ssyncadd.s32 $0xFFFF9C00  }
0x83: {  	[hbm4b:s22+s2] =	stream.linear.scatter [tilespmem:s31], [sflag:$0x7], $0x6400, $0x38;
	[tilespmem:$0x19640] =	vst v63  }
0x84: {  	_ =	swait.ge [sflag:s9], $0x6400  }
0x85: {  	s21 =	rddreg [dreg:$0x3];
	[sflag:s9] =	ssyncset.done $0x0  }
0x86: {  	[sflag:s9] =	ssyncadd.s32 $0xFFFF9C00;
	s4 =	sadd.s32 $0x0, s21  }
0x87: {  	[tilespmem:s26], [sflag:$0x9] =	stream.linear.gather [hbm4b:s4+s2], $0x190, $0x38;
	[tilespmem:$0x19640] =	vst v63  }
0x88: {  	_ =	swait.ge [sflag:s25], $0x190  }
0x89: {  	[sflag:s25] =	ssyncset.done $0x0  }
0x8a: {  	[sflag:s25] =	ssyncadd.s32 $0xFFFFFE70  }
0x8b: {  	[tilespmem:s29], [sflag:$0x2] =	stream.indirect.gather [hbm4b:s3+s26], $0x40, s26, s26, $0xb8;
	[tilespmem:$0x19640] =	vst v63  }
0x8c: {  	s14 =	sadd.s32 $0x3200, s22;
	s15 =	sadd.s32 $0x3200, s24;
	_ =	swait.ge [sflag:s10], $0x6400  }
0x8d: {  	s16 =	sadd.s32 $0x3200, s23;
	s17 =	sadd.s32 $0x3200, s18;
	[sflag:s10] =	ssyncset.done $0x0  }
0x8e: {  	s21 =	smov.u32 s18;
	s4 =	simm.s32 $0xC8;
	[sflag:s10] =	ssyncadd.s32 $0xFFFF9C00  }
.LBB2_2:
0x8f: {  	[hbm4b:s21+s2] =	stream.linear.scatter [tilespmem:s5], [sflag:$0x8], $0x6400, $0x38;
	[tilespmem:$0x19640] =	vst v63  }
0x90: {  	_ =	swait.ge [sflag:s11], $0x6400  }
0x91: {  	s19 =	smov.u32 s4;
	s20 =	rddreg [dreg:$0x6];
	[sflag:s11] =	ssyncset.done $0x0  }
0x92: {  	[sflag:s11] =	ssyncadd.s32 $0xFFFF9C00;
	s20 =	sadd.s32 s19, s20  }
0x93: {  	[tilespmem:s30], [sflag:$0x9] =	stream.linear.gather [hbm4b:s20+s2], $0x190, $0x38;
	[tilespmem:$0x19640] =	vst v63  }
0x94: {  	_ =	swait.ge [sflag:s25], $0x190  }
0x95: {  	[sflag:s25] =	ssyncset.done $0x0  }
0x96: {  	[sflag:s25] =	ssyncadd.s32 $0xFFFFFE70  }
0x97: {  	[tilespmem:s31], [sflag:$0x3] =	stream.indirect.gather [hbm4b:s3+s26], $0x40, s30, s26, $0xb8;
	[tilespmem:$0x19640] =	vst v63  }
0x98: {  	_ =	swait.ge [sflag:s1], $0x6400  }
0x99: {  	[sflag:s1] =	ssyncset.done $0x0  }
0x9a: {  	[sflag:s1] =	ssyncadd.s32 $0xFFFF9C00  }
0x9b: {  	[hbm4b:s15+s2] =	stream.linear.scatter [tilespmem:s28], [sflag:$0x5], $0x6400, $0x38;
	[tilespmem:$0x19640] =	vst v63  }
0x9c: {  	_ =	swait.ge [sflag:s12], $0x6400  }
0x9d: {  	s20 =	rddreg [dreg:$0x5];
	[sflag:s12] =	ssyncset.done $0x0  }
0x9e: {  	[sflag:s12] =	ssyncadd.s32 $0xFFFF9C00;
	s20 =	sadd.s32 s19, s20  }
0x9f: {  	[tilespmem:s0], [sflag:$0x9] =	stream.linear.gather [hbm4b:s20+s2], $0x190, $0x38;
	[tilespmem:$0x19640] =	vst v63  }
0xa0: {  	_ =	swait.ge [sflag:s25], $0x190  }
0xa1: {  	[sflag:s25] =	ssyncset.done $0x0  }
0xa2: {  	[sflag:s25] =	ssyncadd.s32 $0xFFFFFE70  }
0xa3: {  	[tilespmem:s5], [sflag:$0x4] =	stream.indirect.gather [hbm4b:s3+s26], $0x40, s0, s26, $0xb8;
	[tilespmem:$0x19640] =	vst v63  }
0xa4: {  	_ =	swait.ge [sflag:s6], $0x6400  }
0xa5: {  	[sflag:s6] =	ssyncset.done $0x0  }
0xa6: {  	[sflag:s6] =	ssyncadd.s32 $0xFFFF9C00  }
0xa7: {  	[hbm4b:s16+s2] =	stream.linear.scatter [tilespmem:s29], [sflag:$0x6], $0x6400, $0x38;
	[tilespmem:$0x19640] =	vst v63  }
0xa8: {  	_ =	swait.ge [sflag:s7], $0x6400  }
0xa9: {  	s20 =	rddreg [dreg:$0x4];
	[sflag:s7] =	ssyncset.done $0x0  }
0xaa: {  	[sflag:s7] =	ssyncadd.s32 $0xFFFF9C00;
	s20 =	sadd.s32 s19, s20  }
0xab: {  	[tilespmem:s2], [sflag:$0x9] =	stream.linear.gather [hbm4b:s20+s2], $0x190, $0x38;
	[tilespmem:$0x19640] =	vst v63  }
0xac: {  	_ =	swait.ge [sflag:s25], $0x190  }
0xad: {  	[sflag:s25] =	ssyncset.done $0x0  }
0xae: {  	[sflag:s25] =	ssyncadd.s32 $0xFFFFFE70  }
0xaf: {  	[tilespmem:s28], [sflag:$0x1] =	stream.indirect.gather [hbm4b:s3+s26], $0x40, s2, s26, $0xb8;
	[tilespmem:$0x19640] =	vst v63  }
0xb0: {  	_ =	swait.ge [sflag:s8], $0x6400  }
0xb1: {  	[sflag:s8] =	ssyncset.done $0x0  }
0xb2: {  	[sflag:s8] =	ssyncadd.s32 $0xFFFF9C00  }
0xb3: {  	[hbm4b:s14+s2] =	stream.linear.scatter [tilespmem:s31], [sflag:$0x7], $0x6400, $0x38;
	[tilespmem:$0x19640] =	vst v63  }
0xb4: {  	_ =	swait.ge [sflag:s9], $0x6400  }
0xb5: {  	s20 =	rddreg [dreg:$0x3];
	[sflag:s9] =	ssyncset.done $0x0  }
0xb6: {  	[sflag:s9] =	ssyncadd.s32 $0xFFFF9C00;
	s19 =	sadd.s32 s19, s20  }
0xb7: {  	[tilespmem:s26], [sflag:$0x9] =	stream.linear.gather [hbm4b:s19+s2], $0x190, $0x38;
	[tilespmem:$0x19640] =	vst v63  }
0xb8: {  	_ =	swait.ge [sflag:s25], $0x190  }
0xb9: {  	p0 =	sne.s32 s4, $0xA28;
	[sflag:s25] =	ssyncset.done $0x0  }
.Ltmp0:
0xba: {  	[sflag:s25] =	ssyncadd.s32 $0xFFFFFE70;
	(pc) =	sbr.rel @p0 .LBB2_2-.Ltmp0, $4  }
0xbb: {  	[tilespmem:s29], [sflag:$0x2] =	stream.indirect.gather [hbm4b:s3+s26], $0x40, s26, s26, $0xb8;
	[tilespmem:$0x19640] =	vst v63  }
0xbc: {  	s21 =	smov.u32 s17;
	s4 =	sadd.s32 $0xC8, s4;
	_ =	swait.ge [sflag:s10], $0x6400  }
0xbd: {  	s17 =	sadd.s32 $0x3200, s17;
	s15 =	sadd.s32 $0x3200, s15;
	[sflag:s10] =	ssyncset.done $0x0  }
0xbe: {  	s16 =	sadd.s32 $0x3200, s16;
	s14 =	sadd.s32 $0x3200, s14;
	[sflag:s10] =	ssyncadd.s32 $0xFFFF9C00  }
0xbf: {  	[hbm4b:s21+s2] =	stream.linear.scatter [tilespmem:s5], [sflag:$0x8], $0x6400, $0x38;
	[tilespmem:$0x19640] =	vst v63  }
0xc0: {  	_ =	swait.ge [sflag:s11], $0x6400  }
0xc1: {  	[sflag:s11] =	ssyncset.done $0x0  }
0xc2: {  	s4 =	rddreg [dreg:$0x11];
	[sflag:s11] =	ssyncadd.s32 $0xFFFF9C00  }
0xc3: {  	[tilespmem:s30], [sflag:$0x9] =	stream.linear.gather [hbm4b:s4+s2], $0x190, $0x38;
	[tilespmem:$0x19640] =	vst v63  }
0xc4: {  	_ =	swait.ge [sflag:s25], $0x190  }
0xc5: {  	[sflag:s25] =	ssyncset.done $0x0  }
0xc6: {  	[sflag:s25] =	ssyncadd.s32 $0xFFFFFE70  }
0xc7: {  	[tilespmem:s31], [sflag:$0x3] =	stream.indirect.gather [hbm4b:s3+s26], $0x40, s30, s26, $0xb8;
	[tilespmem:$0x19640] =	vst v63  }
0xc8: {  	_ =	swait.ge [sflag:s1], $0x6400  }
0xc9: {  	[sflag:s1] =	ssyncset.done $0x0  }
0xca: {  	s15 =	rddreg [dreg:$0x13];
	[sflag:s1] =	ssyncadd.s32 $0xFFFF9C00  }
0xcb: {  	[hbm4b:s15+s2] =	stream.linear.scatter [tilespmem:s28], [sflag:$0x5], $0x6400, $0x38;
	[tilespmem:$0x19640] =	vst v63  }
0xcc: {  	_ =	swait.ge [sflag:s12], $0x6400  }
0xcd: {  	[sflag:s12] =	ssyncset.done $0x0  }
0xce: {  	s16 =	rddreg [dreg:$0x12];
	[sflag:s12] =	ssyncadd.s32 $0xFFFF9C00  }
0xcf: {  	[tilespmem:s0], [sflag:$0x9] =	stream.linear.gather [hbm4b:s16+s2], $0x190, $0x38;
	[tilespmem:$0x19640] =	vst v63  }
0xd0: {  	_ =	swait.ge [sflag:s25], $0x190  }
0xd1: {  	[sflag:s25] =	ssyncset.done $0x0  }
0xd2: {  	[sflag:s25] =	ssyncadd.s32 $0xFFFFFE70  }
0xd3: {  	[tilespmem:s5], [sflag:$0x4] =	stream.indirect.gather [hbm4b:s3+s26], $0x40, s0, s26, $0xb8;
	[tilespmem:$0x19640] =	vst v63  }
0xd4: {  	_ =	swait.ge [sflag:s6], $0x6400  }
0xd5: {  	[sflag:s6] =	ssyncset.done $0x0  }
0xd6: {  	s17 =	rddreg [dreg:$0x14];
	[sflag:s6] =	ssyncadd.s32 $0xFFFF9C00  }
0xd7: {  	[hbm4b:s17+s2] =	stream.linear.scatter [tilespmem:s29], [sflag:$0x6], $0x6400, $0x38;
	[tilespmem:$0x19640] =	vst v63  }
0xd8: {  	_ =	swait.ge [sflag:s8], $0x6400  }
0xd9: {  	[sflag:s8] =	ssyncset.done $0x0  }
0xda: {  	s19 =	rddreg [dreg:$0x15];
	[sflag:s8] =	ssyncadd.s32 $0xFFFF9C00  }
0xdb: {  	[hbm4b:s19+s2] =	stream.linear.scatter [tilespmem:s31], [sflag:$0x7], $0x6400, $0x38;
	[tilespmem:$0x19640] =	vst v63  }
0xdc: {  	_ =	swait.ge [sflag:s10], $0x6400  }
0xdd: {  	[sflag:s10] =	ssyncset.done $0x0  }
0xde: {  	s20 =	rddreg [dreg:$0x16];
	[sflag:s10] =	ssyncadd.s32 $0xFFFF9C00  }
0xdf: {  	[hbm4b:s20+s2] =	stream.linear.scatter [tilespmem:s5], [sflag:$0x8], $0x6400, $0x38;
	[tilespmem:$0x19640] =	vst v63  }
0xe0: {  	_ =	swait.ge [sflag:s7], $0x6400  }
0xe1: {  	[sflag:s7] =	ssyncset.done $0x0  }
0xe2: {  	[sflag:s7] =	ssyncadd.s32 $0xFFFF9C00  }
0xe3: {  	_ =	swait.ge [sflag:s9], $0x6400  }
0xe4: {  	[sflag:s9] =	ssyncset.done $0x0  }
0xe5: {  	[sflag:s9] =	ssyncadd.s32 $0xFFFF9C00  }
0xe6: {  	_ =	swait.ge [sflag:s11], $0x6400  }
0xe7: {  	[sflag:s11] =	ssyncset.done $0x0  }
0xe8: {  	[sflag:s11] =	ssyncadd.s32 $0xFFFF9C00  }
0xe9: {  	_ =	swait.ge [sflag:s12], $0x6400  }
0xea: {  	s13 =	sadd.s32 $0x1, s13;
	s21 =	rddreg [dreg:$0x17]  }
0xeb: {  	p0 =	sne.s32 s13, s21  }
.Ltmp1:
0xec: {  	_ = 	snop;
	(pc) =	sbr.rel @p0 .LBB2_1-.Ltmp1, $3  }
0xed: {  	_ =	sdelay $0x1  }
0xee: {  	[sflag:s12] =	ssyncset.done $0x0  }
0xef: {  	[sflag:s12] =	ssyncadd.s32 $0xFFFF9C00  }
0xf0: {  	_ =	sfence.sel $0x180000  }
0xf1: {  	[bflag:$0x0] =	sbarrier.arrive $0xFFFF  }
0xf2: {  	_ =	strace $0x90000047  }
0xf3: {  	s0 =	stileid.u32;
	[bflag:$0x2] =	sbarrier.arrive $0xFFFF  }
0xf4: {  	p0 =	sne.s32 s0, $0x0;
	s0 =	rddreg [dreg:$0x2]  }
0xf5: {  	s0 =	sadd.s32 @!p0 $0x100000, s0  }
0xf6: {  	[sflag:s0] =	ssyncadd.tile.s32 @!p0 $0x1;
	_ =	shalt  }
.Lfunc_end2:
_tile_overlayer_lowered:
.L_overlay_start_2:
0xf7: {  	(tag) =	ssettag $0x2  }
0xf8: {  	s0 =	rddreg [dreg:$0x0];
	s2 =	stileid.u32  }
0xf9: {  	s1 =	rddreg [dreg:$0x1];
	p0 =	sne.s32 s2, $0x0  }
0xfa: {  	s3 =	rddreg [dreg:$0x2];
	[bflag:$0x3] =	sbarrier.arrive $0xFFFF;
	s2 =	simm.s32 @!p0 $0x1C09  }
0xfb: {  	[timem:s3], [sflag:s2] =	dma.local @!p0 [hbm:s0], s1  }
0xfc: {  	s0 =	simm.s32 @!p0 $0x9  }
0xfd: {  	_ =	swait.ge @!p0 [sflag:s0], s1  }
0xfe: {  	s1 =	ssub.s32 @!p0 $0x0, s1;
	[sflag:s0] =	ssyncset.done @!p0 $0x0  }
0xff: {  	[sflag:s0] =	ssyncadd.s32 @!p0 s1  }
0x100: {  	[bflag:$0x3] =	sbarrier.arrive $0xFFFF  }
0x101: {  	_ =	shalt  }

// kernel: sparse-core-data-format-call.cloned.1.call-start
scs
called_computation_lowered:
.L_overlay_start_0:
0x0: {  	s2 =	sld [smem:$0x3FD9]  }
0x1: {  	s3 =	sld [smem:$0x3FFE];
	_ =	sdelay $0x1  }
0x2: {  	s1 =	srdreg.scid  }
0x3: {  	s0 =	sand.u32 $0x1, s1  }
0x4: {  	s18 =	sshll.u32 s0, $0xA;
	s2 =	sadd.s32 s3, s2  }
0x5: {  	s2 =	sadd.s32 s2, s18  }
0x6: {  	[smem:$0x3FC6] =	sst s2  }
0x7: {  	_ = 	snop  }
0x8: {  	s2 =	sld [smem:$0x3FD0];
	(tm) =	ssettm $0x1  }
0x9: {  	s19 =	sld [smem:$0x3FFB];
	_ =	sdelay $0x3  }
0xa: {  	_ =	strace s19  }
0xb: {  	s3 =	sld [smem:$0x3FFC];
	_ =	sdelay $0x3  }
0xc: {  	_ =	strace s3  }
0xd: {  	s3 =	sld [smem:$0x3FFD];
	_ =	sdelay $0x3  }
0xe: {  	_ =	strace s3  }
0xf: {  	_ =	strace $0x8FFFFFFF  }
0x10: {  	s20 =	sld [smem:$0x3FDB];
	_ =	sdelay $0x1  }
0x11: {  	s4 =	simm.s32 $_scs_section_size  }
0x12: {  	s5 =	simm.s32 $_size__tile_overlayer_lowered;
	s6 =	simm.s32 $_tile_overlayer_lowered  }
0x13: {  	s23 =	simm.s32 $0x1BFF;
	s22 =	sshll.u32 s6, $0x1;
	s3 =	sadd.s32 s4, s20  }
0x14: {  	s7 =	simm.s32 $0x0;
	s21 =	sshll.u32 s5, $0x1;
	s5 =	sadd.s32 s22, s3  }
0x15: {  	[timem:s7], [sflag:s23] =	dma.local [hbm:s5], s21  }
0x16: {  	_ =	swait.ge [sflag:s23], s21  }
0x17: {  	s4 =	ssub.s32 $0x0, s21;
	[sflag:s23] =	ssyncset.done $0x0  }
0x18: {  	[sflag:s23] =	ssyncadd.s32 s4;
	_ =	sdelay $0x1  }
0x19: {  	s24 =	simm.s32 $0x1B8B  }
0x1a: {  	_ =	swait.ge [sflag:s24], $0x1  }
0x1b: {  	[sflag:s24] =	ssyncset.done $0x0  }
0x1c: {  	s26 =	simm.s32 $0x1B8E;
	s25 =	sld [smem:$0x3FFE];
	[sflag:s24] =	ssyncadd.s32 $0xFFFFFFFF  }
0x1d: {  	s27 =	simm.s32 $execute0_lowered;
	[smem:$0x3FD2] =	sst s26  }
0x1e: {  	s5 =	sshll.u32 s27, $0x1;
	_ =	strace $0x80000049;
	[dreg:$0x1] =	wrdreg $0xFFFFFFFF  }
0x1f: {  	s28 =	simm.s32 $_size_execute0_lowered;
	s3 =	sadd.s32 s3, s5;
	[dreg:$0x0] =	wrdreg $0x0  }
0x20: {  	s5 =	sshll.u32 s28, $0x1;
	[dreg:$0x2] =	wrdreg s3  }
0x21: {  	[dreg:$0x3] =	wrdreg s5  }
0x22: {  	[dreg:$0x4] =	wrdreg $0xC0  }
0x23: {  	_ =	task [dreg:s7], $0x5FFFF  }
0x24: {  	[dreg:$0x1] =	wrdreg $0xFFFFFFFF  }
0x25: {  	[dreg:$0x0] =	wrdreg $0x60  }
0x26: {  	[dreg:$0x2] =	wrdreg s25  }
0x27: {  	[dreg:$0x3] =	wrdreg s2  }
0x28: {  	[dreg:$0x4] =	wrdreg $0x9  }
0x29: {  	_ =	task.clear_ibuf [dreg:s7], $0x5FFFF;
	_ =	strace $0x90000049  }
0x2a: {  	s29 =	simm.s32 $0x9;
	_ =	strace $0x8000004B  }
0x2b: {  	_ =	swait.ge [sflag:s29], $0x1  }
0x2c: {  	[sflag:s29] =	ssyncadd.s32 $0xFFFFFFFF  }
0x2d: {  	_ =	strace $0x9000004B  }
0x2e: {  	_ =	sfence  }
0x2f: {  	s30 =	sld [smem:$0x0];
	_ =	sdelay $0x2  }
0x30: {  	s31 =	sshll.u32 s1, $0xD;
	s1 =	sshrl.u32 s1, $0x2  }
0x31: {  	s3 =	sand.u32 $0x4000, s31;
	s1 =	sadd.s32 s1, s30  }
0x32: {  	s0 =	sor.u32 s3, s0;
	s1 =	sshll.u32 s1, $0x11  }
0x33: {  	s0 =	sor.u32 s1, s0  }
0x34: {  	s0 =	sadd.s32 $0x8F2B, s0  }
0x35: {  	[sflag:s0] =	ssyncadd.remote.s32 $0x1  }
0x36: {  	_ =	sfence.sel $0xFFFF  }
0x37: {  	[dreg:$0x0] =	wrdreg $0xFFFFFFFF;
	(pc) =	sbr.abs _section_cstart, $3  }
0x38: {  	[dreg:$0x1] =	wrdreg $0xFFFFFFFF  }
0x39: {  	_ =	task.clear_ibuf [dreg:s7], $0x2FFFF;
	_ =	strace $0x9FFFFFFF  }
0x3a: {  	(tm) =	ssettm $0x7FFFFFFF  }
0x3b: {  	_ =	shalt  }
tec
execute0_lowered:
.L_overlay_start_1:
0x0: {  	(tag) =	ssettag $0x1  }
0x1: {  	s0 =	srdreg.scid  }
0x2: {  	s1 =	sshll.u32 s0, $0x4  }
0x3: {  	s0 =	stileid.u32;
	s1 =	sand.u32 $0x10, s1  }
0x4: {  	s1 =	sor.u32 s0, s1  }
0x5: {  	s6 =	rddreg [dreg:$0x0];
	s4 =	simm.s32 $0x1;
	s2 =	sshll.u32 s1, $0x7  }
0x6: {  	s7 =	simm.s32 $0x2;
	s12 =	simm.s32 $0x0;
	s1 =	ssub.s32 $0x1000, s2  }
0x7: {  	s8 =	simm.s32 $0x8000;
	s13 =	simm.s32 $0x0;
	s3 =	sand.u32 $0xF80, s1  }
0x8: {  	s9 =	simm.s32 $0x0;
	s5 =	sshrl.u32 s1, $0xC;
	p0 =	sne.s32 s3, $0x0  }
.Ltmp0:
0x9: {  	s1 =	rddreg [dreg:$0x2];
	s4 =	simm.s32 @!p0 $0x0;
	(pc) =	sbr.rel .LBB1_1-.Ltmp0, $4  }
0xa: {  	s11 =	simm.s32 $0x0;
	s3 =	rddreg [dreg:$0x1];
	s5 =	sadd.s32 s4, s5  }
0xb: {  	_ =	strace $0x8000004A;
	s4 =	simm.s32 $0x1;
	s5 =	smul.u32 $0xC8, s5  }
0xc: {  	s6 =	sadd.s32 $0xA00, s6;
	s10 =	smov.u32 s2;
	[sflag:s4] =	ssyncpa.u1 $0x0  }
0xd: {  	p0 =	por $0x0, $0x0;
	[sflag:s7] =	ssyncpa.u1 $0x0;
	s7 =	sor.u32 $0x1, s5  }
.LBB1_4:
0xe: {  	s16 =	sshll.u32 s13, $0x3;
	s17 =	sand.u32 $0x78, s13  }
0xf: {  	s30 =	sand.u32 $0x7E00, s13;
	s12 =	sshll.u32 s12, $0xF;
	s16 =	sand.u32 $0xC00, s16  }
0x10: {  	[tilespmem:s15+$0x810 ss:$0x81] =	vst.msk $0xffff, v2;
	s31 =	sand.u32 $0x7, s13;
	s16 =	sor.u32 s17, s16;
	s17 =	sadd.s32 s3, s30  }
0x11: {  	[tilespmem:s15+$0x1020 ss:$0x81] =	vst.msk $0xffff, v0;
	s13 =	sshll.u32 s31, $0x12;
	s12 =	sadd.s32 s12, s17;
	s16 =	sshrl.u32 s16, $0x3  }
0x12: {  	[tilespmem:s15+$0x0 ss:$0x81] =	vst.msk $0xffff, v1;
	s13 =	sor.u32 $0x400, s13;
	s12 =	sadd.s32 s16, s12  }
0x13: {  	[hbm4b:s12+s13] =	stream.strided.scatter [tilespmem:s14], [sflag:$0x2], $0x2000, s8, s13, $0x20;
	[tilespmem:$0x8080] =	vst v63  }
.LBB1_5:
0x14: {  	s14 =	sadd.s32 $0x1, s9  }
0x15: {  	s12 =	sadd.s32 $0x1000, s10;
	s16 =	smov.u32 s10;
	p2 =	sgt.s32 s14, $0xC7  }
0x16: {  	s16 =	smov.u32 @p2 s12  }
0x17: {  	s14 =	simm.s32 @p2 $0x0;
	p2 =	sgt.s32 s16, $0xFFF  }
0x18: {  	s16 =	smov.u32 @p2 s2;
	p2 =	sne.s32 s11, s7  }
.Ltmp1:
0x19: {  	p1 =	slt.u32 s11, $0x2;
	(pc) =	sbr.rel @!p2 .LBB1_6-.Ltmp1, $4  }
0x1a: {  	s15 =	simm.s32 @!p1 $0x2  }
0x1b: {  	s13 =	smov.u32 s10;
	p0 =	por !p0, !p0;
	_ =	swait.ge @!p1 [sflag:s15], $0x2000  }
0x1c: {  	s12 =	smov.u32 s9;
	[sflag:s15] =	ssyncset.done @!p1 $0x0;
	s9 =	smov.u32 s14  }
0x1d: {  	s11 =	sadd.s32 $0x1, s11;
	[sflag:s15] =	ssyncadd.s32 @!p1 $0xFFFFE000;
	s10 =	smov.u32 s16  }
.LBB1_1:
0x1e: {  	p1 =	sge.u32 s11, s5  }
0x1f: {  	s14 =	sand.u32 @!p1 $0x1FFFFFF, s9  }
0x20: {  	s15 =	smulhi.u32 @!p1 $0x147AE15, s14;
	_ =	sdelay $0x1  }
0x21: {  	s15 =	smul.u32 @!p1 $0xC8, s15  }
0x22: {  	s16 =	sxor.u32 @!p1 $0xFFFFFFFF, s11;
	s17 =	smul.u32 @!p1 $0xC80, s10  }
0x23: {  	s31 =	sadd.s32 $0xFFFFFFFF, s11;
	s16 =	sshll.u32 @!p1 s16, $0xD;
	s14 =	ssub.s32 @!p1 s14, s15  }
0x24: {  	s15 =	sand.u32 @!p1 $0x2000, s16;
	s16 =	sadd.s32 @!p1 s6, s17;
	s14 =	sshll.u32 @!p1 s14, $0x4  }
0x25: {  	s17 =	simm.s32 @!p1 $0x6400;
	s14 =	sadd.s32 @!p1 s14, s16;
	s16 =	simm.s32 @!p1 $0x40  }
0x26: {  	[tilespmem:s15], [sflag:$0x1] =	stream.strided.gather @!p1 [hbm4b:s14+s16], $0x2000, s17, s16, $0x38;
	[tilespmem:$0x8080] =	vst v63  }
0x27: {  	p1 =	sge.u32 s31, s5  }
.Ltmp2:
0x28: {  	_ = 	snop;
	(pc) =	sbr.rel @p1 .LBB1_5-.Ltmp2, $1  }
0x29: {  	_ =	sdelay $0x3  }
0x2a: {  	s14 =	simm.s32 $0x1  }
0x2b: {  	_ =	swait.ge [sflag:s4], $0x2000;
	s14 =	simm.s32 @!p0 $0x0  }
0x2c: {  	[sflag:s4] =	ssyncset.done $0x0;
	s15 =	sshll.u32 s14, $0xD  }
0x2d: {  	[sflag:s4] =	ssyncadd.s32 $0xFFFFE000;
	s18 =	sor.u32 $0x20, s15  }
0x2e: {  	s14 =	smul.u32 $0x8100, s14;
	v3 =	vld [tilespmem:s18+$0x10]  }
0x2f: {  	s30 =	sand.u32 $0x1, s11;
	v2 =	vld [tilespmem:s18+$0xFFFFFFF0]  }
0x30: {  	s15 =	smul.u32 $0x8100, s30;
	s14 =	sshrl.u32 s14, $0x2;
	v0 =	vld [tilespmem:s18+$0x0]  }
0x31: {  	v1 =	vld [tilespmem:s18+$0xFFFFFFE0];
	s16 =	sor.u32 $0x4000, s14  }
0x32: {  	s31 =	sshrl.u32 s15, $0x2;
	s15 =	sadd.s32 $0x0, s16  }
0x33: {  	s17 =	simm.s32 $0x4;
	s18 =	sadd.s32 $0x40, s18;
	s14 =	sor.u32 $0x4000, s31;
	[tilespmem:s15+$0x1830 ss:$0x81] =	vst.msk $0xffff, v3  }
.LBB1_3:
0x34: {  	v3 =	vld [tilespmem:s18+$0x10];
	p1 =	sne.s32 s17, $0x1FC;
	[tilespmem:s15+$0x810 ss:$0x81] =	vst.msk $0xffff, v2;
	s19 =	smov.u32 s17;
	s17 =	sadd.s32 $0x4, s17  }
.Ltmp3:
0x35: {  	v2 =	vld [tilespmem:s18+$0xFFFFFFF0];
	[tilespmem:s15+$0x1020 ss:$0x81] =	vst.msk $0xffff, v0;
	(pc) =	sbr.rel @p1 .LBB1_3-.Ltmp3, $4  }
0x36: {  	v0 =	vld [tilespmem:s18+$0x0];
	[tilespmem:s15+$0x0 ss:$0x81] =	vst.msk $0xffff, v1  }
0x37: {  	s15 =	sshra.s32 s19, $0x2;
	v1 =	vld [tilespmem:s18+$0xFFFFFFE0]  }
0x38: {  	s15 =	sadd.s32 s15, s16  }
0x39: {  	s18 =	sadd.s32 $0x40, s18;
	[tilespmem:s15+$0x1830 ss:$0x81] =	vst.msk $0xffff, v3  }
.Ltmp4:
0x3a: {  	_ = 	snop;
	(pc) =	sbr.rel .LBB1_4-.Ltmp4, $1  }
0x3b: {  	_ =	sdelay $0x3  }
.LBB1_6:
0x3c: {  	_ =	sfence.sel $0x180000  }
0x3d: {  	s2 =	simm.s32 $0x1;
	[bflag:$0x0] =	sbarrier.arrive $0xFFFF  }
0x3e: {  	s31 =	simm.s32 $0x2;
	[sflag:s2] =	ssyncpa.u1 $0x1  }
0x3f: {  	[sflag:s31] =	ssyncpa.u1 $0x1  }
0x40: {  	p0 =	sne.s32 s0, $0x0;
	_ =	strace $0x9000004A  }
0x41: {  	s0 =	sadd.s32 @!p0 $0x100000, s1;
	[bflag:$0x2] =	sbarrier.arrive $0xFFFF  }
0x42: {  	[sflag:s0] =	ssyncadd.tile.s32 @!p0 $0x1;
	_ =	shalt  }
.Lfunc_end1:
_tile_overlayer_lowered:
.L_overlay_start_2:
0x43: {  	(tag) =	ssettag $0x2  }
0x44: {  	s0 =	rddreg [dreg:$0x0];
	s2 =	stileid.u32  }
0x45: {  	s1 =	rddreg [dreg:$0x1];
	p0 =	sne.s32 s2, $0x0  }
0x46: {  	s3 =	rddreg [dreg:$0x2];
	[bflag:$0x3] =	sbarrier.arrive $0xFFFF;
	s2 =	simm.s32 @!p0 $0x1C01  }
0x47: {  	[timem:s3], [sflag:s2] =	dma.local @!p0 [hbm:s0], s1  }
0x48: {  	s0 =	simm.s32 @!p0 $0x1  }
0x49: {  	_ =	swait.ge @!p0 [sflag:s0], s1  }
0x4a: {  	s1 =	ssub.s32 @!p0 $0x0, s1;
	[sflag:s0] =	ssyncset.done @!p0 $0x0  }
0x4b: {  	[sflag:s0] =	ssyncadd.s32 @!p0 s1  }
0x4c: {  	[bflag:$0x3] =	sbarrier.arrive $0xFFFF  }
0x4d: {  	_ =	shalt  }

</sc_bundles>
